<compile_context>
chip_gen: v7x
topology: tpu7x:2x2x1
jax: 0.10.2.dev20260603
libtpu: 0.0.44.dev20260713+nightly
codegen_flags: <defaults>
</compile_context>

<pallas_src>
import functools

import jax
import jax.numpy as jnp
from jax import lax
from jax.experimental import pallas as pl
from jax.experimental.pallas import tpu as pltpu
from jax.experimental.pallas import tpu_sc as plsc

N_NODES = 10000
N_EDGES = 320000
D = 128

NC = 2
NS = 16
NW = NC * NS
LANES = 16

NBLK = N_EDGES // D
BPW = 79
N_PAD = 10240
SL = N_PAD // NW
CH = 64
NCH = SL // CH
ZROW = N_NODES
NZPAD = 256

_mesh = plsc.VectorSubcoreMesh(core_axis_name="c", subcore_axis_name="s")
_sc_params = pltpu.CompilerParams(
    needs_layout_passes=False, use_tc_tiling_on_sc=False
)


@functools.partial(
    pl.kernel,
    mesh=_mesh,
    out_type=jax.ShapeDtypeStruct((NW, N_PAD), jnp.int32),
    compiler_params=_sc_params,
    scratch_types=[
        pltpu.VMEM((BPW, 2, D), jnp.int32),
        pltpu.VMEM((N_PAD,), jnp.int32),
        pltpu.SemaphoreType.DMA,
    ],
)
def _lastsrc_kernel(ei_hbm, src_all, ei_v, src_v, sem):
    wid = lax.axis_index("s") * NC + lax.axis_index("c")
    start = jnp.minimum(wid * (NBLK // NW) + jnp.minimum(wid, NBLK % NW),
                        NBLK - BPW)
    neg1 = jnp.full((LANES,), -1, jnp.int32)
    half = BPW // 2

    cp1 = pltpu.async_copy(
        ei_hbm.at[pl.ds(start, half)], ei_v.at[pl.ds(0, half)], sem
    )
    cp2 = pltpu.async_copy(
        ei_hbm.at[pl.ds(start + half, BPW - half)],
        ei_v.at[pl.ds(half, BPW - half)],
        sem,
    )

    def init_body(j, carry):
        for u in range(8):
            src_v[pl.ds((j * 8 + u) * LANES, LANES)] = neg1
        return carry

    lax.fori_loop(0, N_PAD // (8 * LANES), init_body, 0)

    def blk_body(j, carry):
        for o in range(D // LANES):
            d16 = ei_v[j, 0, pl.ds(o * LANES, LANES)]
            s16 = ei_v[j, 1, pl.ds(o * LANES, LANES)]
            plsc.store_scatter(src_v, [d16], s16)
        return carry

    cp1.wait()
    lax.fori_loop(0, half, blk_body, 0)
    cp2.wait()
    lax.fori_loop(half, BPW, blk_body, 0)
    pltpu.sync_copy(src_v, src_all.at[wid])


@functools.partial(
    pl.kernel,
    mesh=_mesh,
    out_type=jax.ShapeDtypeStruct((N_PAD, D), jnp.float32),
    compiler_params=_sc_params,
    scratch_types=[
        pltpu.VMEM((NW, SL), jnp.int32),
        pltpu.VMEM((SL,), jnp.int32),
        pltpu.VMEM((SL, D), jnp.float32),
        pltpu.SemaphoreType.DMA,
    ],
)
def _agg_kernel(src_all, xpad_hbm, agg_hbm, ssl_v, safe_v, rows_v, sem):
    wid = lax.axis_index("s") * NC + lax.axis_index("c")
    base = wid * SL

    pltpu.sync_copy(src_all.at[:, pl.ds(base, SL)], ssl_v)

    iota = lax.iota(jnp.int32, LANES)

    def comb_body(j, carry):
        sl = pl.ds(j * LANES, LANES)
        bsrc = ZROW + ((base + j * LANES + iota) & (NZPAD - 1))
        for w in range(NW):
            sw = ssl_v[w, sl]
            bsrc = jnp.where(sw >= 0, sw, bsrc)
        safe_v[sl] = bsrc
        return carry

    lax.fori_loop(0, SL // LANES, comb_body, 0)

    copies = [
        pltpu.async_copy(
            xpad_hbm.at[safe_v.at[pl.ds(k * CH, CH)]],
            rows_v.at[pl.ds(k * CH, CH)],
            sem,
        )
        for k in range(NCH)
    ]
    for cp in copies:
        cp.wait()
    pltpu.sync_copy(rows_v, agg_hbm.at[pl.ds(base, SL)])


def _mm1_body(x_ref, w_ref, b_ref, o_ref):
    dn = (((1,), (1,)), ((), ()))
    o_ref[...] = (
        lax.dot_general(x_ref[...], w_ref[:, :D], dn,
                        preferred_element_type=jnp.float32)
        + b_ref[...]
    )


def _mm2_body(y1_ref, agg_ref, w_ref, o_ref):
    dn = (((1,), (1,)), ((), ()))
    o_ref[...] = y1_ref[...] + lax.dot_general(
        agg_ref[...], w_ref[:, D:], dn, preferred_element_type=jnp.float32
    )


_ROWS_BLK = 5000
_GRID = (N_NODES // _ROWS_BLK,)
_ROW_SPEC = pl.BlockSpec((_ROWS_BLK, D), lambda i: (i, 0))
_W_SPEC = pl.BlockSpec((D, 2 * D), lambda i: (0, 0))
_OUT_TYPE = jax.ShapeDtypeStruct((N_NODES, D), jnp.float32)


def _mm1(x, W, b2d):
    return pl.pallas_call(
        _mm1_body,
        grid=_GRID,
        in_specs=[_ROW_SPEC, _W_SPEC, pl.BlockSpec((1, D), lambda i: (0, 0))],
        out_specs=_ROW_SPEC,
        out_shape=_OUT_TYPE,
    )(x, W, b2d)


def _mm2(y1, agg, W):
    return pl.pallas_call(
        _mm2_body,
        grid=_GRID,
        in_specs=[_ROW_SPEC, _ROW_SPEC, _W_SPEC],
        out_specs=_ROW_SPEC,
        out_shape=_OUT_TYPE,
    )(y1, agg, W)


@jax.jit
def kernel(x, edge_index, W, b):
    ei_t = jnp.transpose(edge_index.reshape(2, NBLK, D), (1, 0, 2))
    xpad = jnp.concatenate([x, jnp.zeros((NZPAD, D), x.dtype)], axis=0)
    src_all = _lastsrc_kernel(ei_t)
    agg = _agg_kernel(src_all, xpad)
    y1 = _mm1(x, W, b.reshape(1, D))
    return _mm2(y1, agg, W)

# --- scband reference (transcript-rebuilt; emitter-appended) ---
"""Pipeline reference for scband-gcnlayer-73701638799536 (READ-ONLY COPY).

The authoritative reference and input builder live on the scoring server;
editing this copy changes nothing except your own understanding.
"""

import jax, jax.numpy as jnp
import numpy as np

N_NODES = 10000
N_EDGES = 320000
IN_FEATS = 128
OUT_FEATS = 128


def setup_inputs(seed: int = 0) -> dict:
    key = jax.random.key(seed)
    k1, k2, k3, k4 = jax.random.split(key, 4)
    x = jax.random.normal(k1, (N_NODES, IN_FEATS), dtype=jnp.float32)
    edge_index = jax.random.randint(k2, (2, N_EDGES), 0, N_NODES, dtype=jnp.int32)
    # Linear(in_feats*2 -> out_feats): weight [out, in*2], bias [out]
    W = jax.random.normal(k3, (OUT_FEATS, IN_FEATS * 2), dtype=jnp.float32) * 0.05
    b = jax.random.normal(k4, (OUT_FEATS,), dtype=jnp.float32) * 0.05
    return {"x": x, "edge_index": edge_index, "W": W, "b": b}


def reference(x, edge_index, W, b):
    # agg = zeros_like(x); agg[edge_index[0]] = x[edge_index[1]]  (scatter-overwrite)
    gathered = jnp.take(x, edge_index[1], axis=0)
    agg = jnp.zeros_like(x).at[edge_index[0]].set(gathered)
    cat = jnp.concatenate((x, agg), axis=-1)
    out = cat @ W.T + b
    return out

if __name__ == "__main__":
    import jax
    _d = setup_inputs()
    print(jax.jit(kernel)(*tuple(_d.values())))

</pallas_src>

<mosaic_0001>
#map = affine_map<(d0, d1) -> (0, 0)>
module attributes {stable_mosaic.version = 14 : i64} {
  func.func @_agg_kernel(%arg0: i32, %arg1: i32, %arg2: memref<32x10240xi32, #tpu.memory_space<hbm>>, %arg3: memref<10256x128xf32, #tpu.memory_space<hbm>>, %arg4: memref<10240x128xf32, #tpu.memory_space<hbm>>, %arg5: memref<32x320xi32, #tpu.memory_space<vmem>>, %arg6: memref<320xi32, #tpu.memory_space<vmem>>, %arg7: memref<320x128xf32, #tpu.memory_space<vmem>>, %arg8: memref<!tpu.dma_semaphore, #tpu.memory_space<semaphore_mem>>) attributes {dimension_semantics = [#tpu.dimension_semantics<core_parallel>, #tpu.dimension_semantics<subcore_parallel>], iteration_bounds = array<i64: 2, 16>, scalar_prefetch = 0 : i64, scratch_operands = 4 : i64, tpu.core_type = #tpu.core_type<sc_vector_subcore>, window_params = [{transform_indices = #map}, {transform_indices = #map}, {transform_indices = #map}]} {
    %mul3A = arith.constant 2 : i32
    %mul3A_0 = arith.muli %arg1, %mul3A : i32
    %add3A = arith.addi %mul3A_0, %arg0 : i32
    %mul3A_1 = arith.constant 320 : i32
    %mul3A_2 = arith.muli %add3A, %mul3A_1 : i32
    "tpu.region"() ({
      %run_scoped3A = tpu.sem_alloc : memref<!tpu.dma_semaphore, #tpu.memory_space<semaphore_mem>>
      %dma_start3A_86 = arith.constant 0 : i32
      %dma_start3A_87 = tpu.memref_slice %arg2[%dma_start3A_86, %mul3A_2] : memref<32x10240xi32, #tpu.memory_space<hbm>> -> memref<32x320xi32, #tpu.memory_space<hbm>>
      %dma_start3A_88 = arith.constant 0 : i32
      %dma_start3A_89 = tpu.memref_slice %arg2[%dma_start3A_88, %mul3A_2] : memref<32x10240xi32, #tpu.memory_space<hbm>> -> memref<32x320xi32, #tpu.memory_space<hbm>>
      tpu.enqueue_dma source(%dma_start3A_89 : memref<32x320xi32, #tpu.memory_space<hbm>>) target(%arg5 : memref<32x320xi32, #tpu.memory_space<vmem>>) target_semaphore(%run_scoped3A : memref<!tpu.dma_semaphore, #tpu.memory_space<semaphore_mem>>)
      %dma_wait3A_90 = arith.constant 0 : i32
      %dma_wait3A_91 = tpu.memref_slice %arg2[%dma_wait3A_90, %mul3A_2] : memref<32x10240xi32, #tpu.memory_space<hbm>> -> memref<32x320xi32, #tpu.memory_space<hbm>>
      %dma_wait3A_92 = arith.constant 0 : i32
      %dma_wait3A_93 = tpu.memref_slice %arg2[%dma_wait3A_92, %mul3A_2] : memref<32x10240xi32, #tpu.memory_space<hbm>> -> memref<32x320xi32, #tpu.memory_space<hbm>>
      tpu.wait_dma2 semaphore(%run_scoped3A : memref<!tpu.dma_semaphore, #tpu.memory_space<semaphore_mem>>) src(%dma_wait3A_93 : memref<32x320xi32, #tpu.memory_space<hbm>>) dst(%arg5 : memref<32x320xi32, #tpu.memory_space<vmem>>)
      tpu.yield
    }) : () -> ()
    %iota3A = tpu.iota {dimensions = array<i32: 0>} : vector<16xi32>
    %scan3A = arith.constant 0 : i32
    %scan3A_3 = arith.constant 0 : i32
    %scan3A_4 = arith.constant 20 : i32
    %scan3A_5 = arith.addi %scan3A_3, %scan3A_4 : i32
    %scan3A_6 = arith.constant 1 : i32
    scf.for %scan3A_86 = %scan3A_3 to %scan3A_5 step %scan3A_6  : i32 {
      %mul3A_87 = arith.constant 16 : i32
      %mul3A_88 = arith.muli %scan3A_86, %mul3A_87 : i32
      %mul3A_89 = arith.constant 16 : i32
      %mul3A_90 = arith.muli %scan3A_86, %mul3A_89 : i32
      %add3A_91 = arith.addi %mul3A_2, %mul3A_90 : i32
      %add3A_92 = vector.broadcast %add3A_91 : i32 to vector<16xi32>
      %add3A_93 = arith.addi %add3A_92, %iota3A : vector<16xi32>
      %and3A = arith.constant 255 : i32
      %and3A_94 = vector.broadcast %and3A : i32 to vector<16xi32>
      %and3A_95 = arith.andi %add3A_93, %and3A_94 : vector<16xi32>
      %add3A_96 = arith.constant 10000 : i32
      %add3A_97 = vector.broadcast %add3A_96 : i32 to vector<16xi32>
      %add3A_98 = arith.addi %add3A_97, %and3A_95 : vector<16xi32>
      %get3A = arith.constant 0 : i32
      %get3A_99 = arith.index_cast %get3A : i32 to index
      %get3A_100 = arith.index_cast %mul3A_88 : i32 to index
      %get3A_101 = tpu.vector_load %arg5[%get3A_99, %get3A_100] {strides = array<i32>} : memref<32x320xi32, #tpu.memory_space<vmem>>, vector<16xi32>,
      %ge3A = arith.constant 0 : i32
      %ge3A_102 = vector.broadcast %ge3A : i32 to vector<16xi32>
      %ge3A_103 = arith.cmpi sge, %get3A_101, %ge3A_102 : vector<16xi32>
      %select_n3A = arith.select %ge3A_103, %get3A_101, %add3A_98 : vector<16xi1>, vector<16xi32>
      %get3A_104 = arith.constant 1 : i32
      %get3A_105 = arith.index_cast %get3A_104 : i32 to index
      %get3A_106 = arith.index_cast %mul3A_88 : i32 to index
      %get3A_107 = tpu.vector_load %arg5[%get3A_105, %get3A_106] {strides = array<i32>} : memref<32x320xi32, #tpu.memory_space<vmem>>, vector<16xi32>,
      %ge3A_108 = arith.constant 0 : i32
      %ge3A_109 = vector.broadcast %ge3A_108 : i32 to vector<16xi32>
      %ge3A_110 = arith.cmpi sge, %get3A_107, %ge3A_109 : vector<16xi32>
      %select_n3A_111 = arith.select %ge3A_110, %get3A_107, %select_n3A : vector<16xi1>, vector<16xi32>
      %get3A_112 = arith.constant 2 : i32
      %get3A_113 = arith.index_cast %get3A_112 : i32 to index
      %get3A_114 = arith.index_cast %mul3A_88 : i32 to index
      %get3A_115 = tpu.vector_load %arg5[%get3A_113, %get3A_114] {strides = array<i32>} : memref<32x320xi32, #tpu.memory_space<vmem>>, vector<16xi32>,
      %ge3A_116 = arith.constant 0 : i32
      %ge3A_117 = vector.broadcast %ge3A_116 : i32 to vector<16xi32>
      %ge3A_118 = arith.cmpi sge, %get3A_115, %ge3A_117 : vector<16xi32>
      %select_n3A_119 = arith.select %ge3A_118, %get3A_115, %select_n3A_111 : vector<16xi1>, vector<16xi32>
      %get3A_120 = arith.constant 3 : i32
      %get3A_121 = arith.index_cast %get3A_120 : i32 to index
      %get3A_122 = arith.index_cast %mul3A_88 : i32 to index
      %get3A_123 = tpu.vector_load %arg5[%get3A_121, %get3A_122] {strides = array<i32>} : memref<32x320xi32, #tpu.memory_space<vmem>>, vector<16xi32>,
      %ge3A_124 = arith.constant 0 : i32
      %ge3A_125 = vector.broadcast %ge3A_124 : i32 to vector<16xi32>
      %ge3A_126 = arith.cmpi sge, %get3A_123, %ge3A_125 : vector<16xi32>
      %select_n3A_127 = arith.select %ge3A_126, %get3A_123, %select_n3A_119 : vector<16xi1>, vector<16xi32>
      %get3A_128 = arith.constant 4 : i32
      %get3A_129 = arith.index_cast %get3A_128 : i32 to index
      %get3A_130 = arith.index_cast %mul3A_88 : i32 to index
      %get3A_131 = tpu.vector_load %arg5[%get3A_129, %get3A_130] {strides = array<i32>} : memref<32x320xi32, #tpu.memory_space<vmem>>, vector<16xi32>,
      %ge3A_132 = arith.constant 0 : i32
      %ge3A_133 = vector.broadcast %ge3A_132 : i32 to vector<16xi32>
      %ge3A_134 = arith.cmpi sge, %get3A_131, %ge3A_133 : vector<16xi32>
      %select_n3A_135 = arith.select %ge3A_134, %get3A_131, %select_n3A_127 : vector<16xi1>, vector<16xi32>
      %get3A_136 = arith.constant 5 : i32
      %get3A_137 = arith.index_cast %get3A_136 : i32 to index
      %get3A_138 = arith.index_cast %mul3A_88 : i32 to index
      %get3A_139 = tpu.vector_load %arg5[%get3A_137, %get3A_138] {strides = array<i32>} : memref<32x320xi32, #tpu.memory_space<vmem>>, vector<16xi32>,
      %ge3A_140 = arith.constant 0 : i32
      %ge3A_141 = vector.broadcast %ge3A_140 : i32 to vector<16xi32>
      %ge3A_142 = arith.cmpi sge, %get3A_139, %ge3A_141 : vector<16xi32>
      %select_n3A_143 = arith.select %ge3A_142, %get3A_139, %select_n3A_135 : vector<16xi1>, vector<16xi32>
      %get3A_144 = arith.constant 6 : i32
      %get3A_145 = arith.index_cast %get3A_144 : i32 to index
      %get3A_146 = arith.index_cast %mul3A_88 : i32 to index
      %get3A_147 = tpu.vector_load %arg5[%get3A_145, %get3A_146] {strides = array<i32>} : memref<32x320xi32, #tpu.memory_space<vmem>>, vector<16xi32>,
      %ge3A_148 = arith.constant 0 : i32
      %ge3A_149 = vector.broadcast %ge3A_148 : i32 to vector<16xi32>
      %ge3A_150 = arith.cmpi sge, %get3A_147, %ge3A_149 : vector<16xi32>
      %select_n3A_151 = arith.select %ge3A_150, %get3A_147, %select_n3A_143 : vector<16xi1>, vector<16xi32>
      %get3A_152 = arith.constant 7 : i32
      %get3A_153 = arith.index_cast %get3A_152 : i32 to index
      %get3A_154 = arith.index_cast %mul3A_88 : i32 to index
      %get3A_155 = tpu.vector_load %arg5[%get3A_153, %get3A_154] {strides = array<i32>} : memref<32x320xi32, #tpu.memory_space<vmem>>, vector<16xi32>,
      %ge3A_156 = arith.constant 0 : i32
      %ge3A_157 = vector.broadcast %ge3A_156 : i32 to vector<16xi32>
      %ge3A_158 = arith.cmpi sge, %get3A_155, %ge3A_157 : vector<16xi32>
      %select_n3A_159 = arith.select %ge3A_158, %get3A_155, %select_n3A_151 : vector<16xi1>, vector<16xi32>
      %get3A_160 = arith.constant 8 : i32
      %get3A_161 = arith.index_cast %get3A_160 : i32 to index
      %get3A_162 = arith.index_cast %mul3A_88 : i32 to index
      %get3A_163 = tpu.vector_load %arg5[%get3A_161, %get3A_162] {strides = array<i32>} : memref<32x320xi32, #tpu.memory_space<vmem>>, vector<16xi32>,
      %ge3A_164 = arith.constant 0 : i32
      %ge3A_165 = vector.broadcast %ge3A_164 : i32 to vector<16xi32>
      %ge3A_166 = arith.cmpi sge, %get3A_163, %ge3A_165 : vector<16xi32>
      %select_n3A_167 = arith.select %ge3A_166, %get3A_163, %select_n3A_159 : vector<16xi1>, vector<16xi32>
      %get3A_168 = arith.constant 9 : i32
      %get3A_169 = arith.index_cast %get3A_168 : i32 to index
      %get3A_170 = arith.index_cast %mul3A_88 : i32 to index
      %get3A_171 = tpu.vector_load %arg5[%get3A_169, %get3A_170] {strides = array<i32>} : memref<32x320xi32, #tpu.memory_space<vmem>>, vector<16xi32>,
      %ge3A_172 = arith.constant 0 : i32
      %ge3A_173 = vector.broadcast %ge3A_172 : i32 to vector<16xi32>
      %ge3A_174 = arith.cmpi sge, %get3A_171, %ge3A_173 : vector<16xi32>
      %select_n3A_175 = arith.select %ge3A_174, %get3A_171, %select_n3A_167 : vector<16xi1>, vector<16xi32>
      %get3A_176 = arith.constant 10 : i32
      %get3A_177 = arith.index_cast %get3A_176 : i32 to index
      %get3A_178 = arith.index_cast %mul3A_88 : i32 to index
      %get3A_179 = tpu.vector_load %arg5[%get3A_177, %get3A_178] {strides = array<i32>} : memref<32x320xi32, #tpu.memory_space<vmem>>, vector<16xi32>,
      %ge3A_180 = arith.constant 0 : i32
      %ge3A_181 = vector.broadcast %ge3A_180 : i32 to vector<16xi32>
      %ge3A_182 = arith.cmpi sge, %get3A_179, %ge3A_181 : vector<16xi32>
      %select_n3A_183 = arith.select %ge3A_182, %get3A_179, %select_n3A_175 : vector<16xi1>, vector<16xi32>
      %get3A_184 = arith.constant 11 : i32
      %get3A_185 = arith.index_cast %get3A_184 : i32 to index
      %get3A_186 = arith.index_cast %mul3A_88 : i32 to index
      %get3A_187 = tpu.vector_load %arg5[%get3A_185, %get3A_186] {strides = array<i32>} : memref<32x320xi32, #tpu.memory_space<vmem>>, vector<16xi32>,
      %ge3A_188 = arith.constant 0 : i32
      %ge3A_189 = vector.broadcast %ge3A_188 : i32 to vector<16xi32>
      %ge3A_190 = arith.cmpi sge, %get3A_187, %ge3A_189 : vector<16xi32>
      %select_n3A_191 = arith.select %ge3A_190, %get3A_187, %select_n3A_183 : vector<16xi1>, vector<16xi32>
      %get3A_192 = arith.constant 12 : i32
      %get3A_193 = arith.index_cast %get3A_192 : i32 to index
      %get3A_194 = arith.index_cast %mul3A_88 : i32 to index
      %get3A_195 = tpu.vector_load %arg5[%get3A_193, %get3A_194] {strides = array<i32>} : memref<32x320xi32, #tpu.memory_space<vmem>>, vector<16xi32>,
      %ge3A_196 = arith.constant 0 : i32
      %ge3A_197 = vector.broadcast %ge3A_196 : i32 to vector<16xi32>
      %ge3A_198 = arith.cmpi sge, %get3A_195, %ge3A_197 : vector<16xi32>
      %select_n3A_199 = arith.select %ge3A_198, %get3A_195, %select_n3A_191 : vector<16xi1>, vector<16xi32>
      %get3A_200 = arith.constant 13 : i32
      %get3A_201 = arith.index_cast %get3A_200 : i32 to index
      %get3A_202 = arith.index_cast %mul3A_88 : i32 to index
      %get3A_203 = tpu.vector_load %arg5[%get3A_201, %get3A_202] {strides = array<i32>} : memref<32x320xi32, #tpu.memory_space<vmem>>, vector<16xi32>,
      %ge3A_204 = arith.constant 0 : i32
      %ge3A_205 = vector.broadcast %ge3A_204 : i32 to vector<16xi32>
      %ge3A_206 = arith.cmpi sge, %get3A_203, %ge3A_205 : vector<16xi32>
      %select_n3A_207 = arith.select %ge3A_206, %get3A_203, %select_n3A_199 : vector<16xi1>, vector<16xi32>
      %get3A_208 = arith.constant 14 : i32
      %get3A_209 = arith.index_cast %get3A_208 : i32 to index
      %get3A_210 = arith.index_cast %mul3A_88 : i32 to index
      %get3A_211 = tpu.vector_load %arg5[%get3A_209, %get3A_210] {strides = array<i32>} : memref<32x320xi32, #tpu.memory_space<vmem>>, vector<16xi32>,
      %ge3A_212 = arith.constant 0 : i32
      %ge3A_213 = vector.broadcast %ge3A_212 : i32 to vector<16xi32>
      %ge3A_214 = arith.cmpi sge, %get3A_211, %ge3A_213 : vector<16xi32>
      %select_n3A_215 = arith.select %ge3A_214, %get3A_211, %select_n3A_207 : vector<16xi1>, vector<16xi32>
      %get3A_216 = arith.constant 15 : i32
      %get3A_217 = arith.index_cast %get3A_216 : i32 to index
      %get3A_218 = arith.index_cast %mul3A_88 : i32 to index
      %get3A_219 = tpu.vector_load %arg5[%get3A_217, %get3A_218] {strides = array<i32>} : memref<32x320xi32, #tpu.memory_space<vmem>>, vector<16xi32>,
      %ge3A_220 = arith.constant 0 : i32
      %ge3A_221 = vector.broadcast %ge3A_220 : i32 to vector<16xi32>
      %ge3A_222 = arith.cmpi sge, %get3A_219, %ge3A_221 : vector<16xi32>
      %select_n3A_223 = arith.select %ge3A_222, %get3A_219, %select_n3A_215 : vector<16xi1>, vector<16xi32>
      %get3A_224 = arith.constant 16 : i32
      %get3A_225 = arith.index_cast %get3A_224 : i32 to index
      %get3A_226 = arith.index_cast %mul3A_88 : i32 to index
      %get3A_227 = tpu.vector_load %arg5[%get3A_225, %get3A_226] {strides = array<i32>} : memref<32x320xi32, #tpu.memory_space<vmem>>, vector<16xi32>,
      %ge3A_228 = arith.constant 0 : i32
      %ge3A_229 = vector.broadcast %ge3A_228 : i32 to vector<16xi32>
      %ge3A_230 = arith.cmpi sge, %get3A_227, %ge3A_229 : vector<16xi32>
      %select_n3A_231 = arith.select %ge3A_230, %get3A_227, %select_n3A_223 : vector<16xi1>, vector<16xi32>
      %get3A_232 = arith.constant 17 : i32
      %get3A_233 = arith.index_cast %get3A_232 : i32 to index
      %get3A_234 = arith.index_cast %mul3A_88 : i32 to index
      %get3A_235 = tpu.vector_load %arg5[%get3A_233, %get3A_234] {strides = array<i32>} : memref<32x320xi32, #tpu.memory_space<vmem>>, vector<16xi32>,
      %ge3A_236 = arith.constant 0 : i32
      %ge3A_237 = vector.broadcast %ge3A_236 : i32 to vector<16xi32>
      %ge3A_238 = arith.cmpi sge, %get3A_235, %ge3A_237 : vector<16xi32>
      %select_n3A_239 = arith.select %ge3A_238, %get3A_235, %select_n3A_231 : vector<16xi1>, vector<16xi32>
      %get3A_240 = arith.constant 18 : i32
      %get3A_241 = arith.index_cast %get3A_240 : i32 to index
      %get3A_242 = arith.index_cast %mul3A_88 : i32 to index
      %get3A_243 = tpu.vector_load %arg5[%get3A_241, %get3A_242] {strides = array<i32>} : memref<32x320xi32, #tpu.memory_space<vmem>>, vector<16xi32>,
      %ge3A_244 = arith.constant 0 : i32
      %ge3A_245 = vector.broadcast %ge3A_244 : i32 to vector<16xi32>
      %ge3A_246 = arith.cmpi sge, %get3A_243, %ge3A_245 : vector<16xi32>
      %select_n3A_247 = arith.select %ge3A_246, %get3A_243, %select_n3A_239 : vector<16xi1>, vector<16xi32>
      %get3A_248 = arith.constant 19 : i32
      %get3A_249 = arith.index_cast %get3A_248 : i32 to index
      %get3A_250 = arith.index_cast %mul3A_88 : i32 to index
      %get3A_251 = tpu.vector_load %arg5[%get3A_249, %get3A_250] {strides = array<i32>} : memref<32x320xi32, #tpu.memory_space<vmem>>, vector<16xi32>,
      %ge3A_252 = arith.constant 0 : i32
      %ge3A_253 = vector.broadcast %ge3A_252 : i32 to vector<16xi32>
      %ge3A_254 = arith.cmpi sge, %get3A_251, %ge3A_253 : vector<16xi32>
      %select_n3A_255 = arith.select %ge3A_254, %get3A_251, %select_n3A_247 : vector<16xi1>, vector<16xi32>
      %get3A_256 = arith.constant 20 : i32
      %get3A_257 = arith.index_cast %get3A_256 : i32 to index
      %get3A_258 = arith.index_cast %mul3A_88 : i32 to index
      %get3A_259 = tpu.vector_load %arg5[%get3A_257, %get3A_258] {strides = array<i32>} : memref<32x320xi32, #tpu.memory_space<vmem>>, vector<16xi32>,
      %ge3A_260 = arith.constant 0 : i32
      %ge3A_261 = vector.broadcast %ge3A_260 : i32 to vector<16xi32>
      %ge3A_262 = arith.cmpi sge, %get3A_259, %ge3A_261 : vector<16xi32>
      %select_n3A_263 = arith.select %ge3A_262, %get3A_259, %select_n3A_255 : vector<16xi1>, vector<16xi32>
      %get3A_264 = arith.constant 21 : i32
      %get3A_265 = arith.index_cast %get3A_264 : i32 to index
      %get3A_266 = arith.index_cast %mul3A_88 : i32 to index
      %get3A_267 = tpu.vector_load %arg5[%get3A_265, %get3A_266] {strides = array<i32>} : memref<32x320xi32, #tpu.memory_space<vmem>>, vector<16xi32>,
      %ge3A_268 = arith.constant 0 : i32
      %ge3A_269 = vector.broadcast %ge3A_268 : i32 to vector<16xi32>
      %ge3A_270 = arith.cmpi sge, %get3A_267, %ge3A_269 : vector<16xi32>
      %select_n3A_271 = arith.select %ge3A_270, %get3A_267, %select_n3A_263 : vector<16xi1>, vector<16xi32>
      %get3A_272 = arith.constant 22 : i32
      %get3A_273 = arith.index_cast %get3A_272 : i32 to index
      %get3A_274 = arith.index_cast %mul3A_88 : i32 to index
      %get3A_275 = tpu.vector_load %arg5[%get3A_273, %get3A_274] {strides = array<i32>} : memref<32x320xi32, #tpu.memory_space<vmem>>, vector<16xi32>,
      %ge3A_276 = arith.constant 0 : i32
      %ge3A_277 = vector.broadcast %ge3A_276 : i32 to vector<16xi32>
      %ge3A_278 = arith.cmpi sge, %get3A_275, %ge3A_277 : vector<16xi32>
      %select_n3A_279 = arith.select %ge3A_278, %get3A_275, %select_n3A_271 : vector<16xi1>, vector<16xi32>
      %get3A_280 = arith.constant 23 : i32
      %get3A_281 = arith.index_cast %get3A_280 : i32 to index
      %get3A_282 = arith.index_cast %mul3A_88 : i32 to index
      %get3A_283 = tpu.vector_load %arg5[%get3A_281, %get3A_282] {strides = array<i32>} : memref<32x320xi32, #tpu.memory_space<vmem>>, vector<16xi32>,
      %ge3A_284 = arith.constant 0 : i32
      %ge3A_285 = vector.broadcast %ge3A_284 : i32 to vector<16xi32>
      %ge3A_286 = arith.cmpi sge, %get3A_283, %ge3A_285 : vector<16xi32>
      %select_n3A_287 = arith.select %ge3A_286, %get3A_283, %select_n3A_279 : vector<16xi1>, vector<16xi32>
      %get3A_288 = arith.constant 24 : i32
      %get3A_289 = arith.index_cast %get3A_288 : i32 to index
      %get3A_290 = arith.index_cast %mul3A_88 : i32 to index
      %get3A_291 = tpu.vector_load %arg5[%get3A_289, %get3A_290] {strides = array<i32>} : memref<32x320xi32, #tpu.memory_space<vmem>>, vector<16xi32>,
      %ge3A_292 = arith.constant 0 : i32
      %ge3A_293 = vector.broadcast %ge3A_292 : i32 to vector<16xi32>
      %ge3A_294 = arith.cmpi sge, %get3A_291, %ge3A_293 : vector<16xi32>
      %select_n3A_295 = arith.select %ge3A_294, %get3A_291, %select_n3A_287 : vector<16xi1>, vector<16xi32>
      %get3A_296 = arith.constant 25 : i32
      %get3A_297 = arith.index_cast %get3A_296 : i32 to index
      %get3A_298 = arith.index_cast %mul3A_88 : i32 to index
      %get3A_299 = tpu.vector_load %arg5[%get3A_297, %get3A_298] {strides = array<i32>} : memref<32x320xi32, #tpu.memory_space<vmem>>, vector<16xi32>,
      %ge3A_300 = arith.constant 0 : i32
      %ge3A_301 = vector.broadcast %ge3A_300 : i32 to vector<16xi32>
      %ge3A_302 = arith.cmpi sge, %get3A_299, %ge3A_301 : vector<16xi32>
      %select_n3A_303 = arith.select %ge3A_302, %get3A_299, %select_n3A_295 : vector<16xi1>, vector<16xi32>
      %get3A_304 = arith.constant 26 : i32
      %get3A_305 = arith.index_cast %get3A_304 : i32 to index
      %get3A_306 = arith.index_cast %mul3A_88 : i32 to index
      %get3A_307 = tpu.vector_load %arg5[%get3A_305, %get3A_306] {strides = array<i32>} : memref<32x320xi32, #tpu.memory_space<vmem>>, vector<16xi32>,
      %ge3A_308 = arith.constant 0 : i32
      %ge3A_309 = vector.broadcast %ge3A_308 : i32 to vector<16xi32>
      %ge3A_310 = arith.cmpi sge, %get3A_307, %ge3A_309 : vector<16xi32>
      %select_n3A_311 = arith.select %ge3A_310, %get3A_307, %select_n3A_303 : vector<16xi1>, vector<16xi32>
      %get3A_312 = arith.constant 27 : i32
      %get3A_313 = arith.index_cast %get3A_312 : i32 to index
      %get3A_314 = arith.index_cast %mul3A_88 : i32 to index
      %get3A_315 = tpu.vector_load %arg5[%get3A_313, %get3A_314] {strides = array<i32>} : memref<32x320xi32, #tpu.memory_space<vmem>>, vector<16xi32>,
      %ge3A_316 = arith.constant 0 : i32
      %ge3A_317 = vector.broadcast %ge3A_316 : i32 to vector<16xi32>
      %ge3A_318 = arith.cmpi sge, %get3A_315, %ge3A_317 : vector<16xi32>
      %select_n3A_319 = arith.select %ge3A_318, %get3A_315, %select_n3A_311 : vector<16xi1>, vector<16xi32>
      %get3A_320 = arith.constant 28 : i32
      %get3A_321 = arith.index_cast %get3A_320 : i32 to index
      %get3A_322 = arith.index_cast %mul3A_88 : i32 to index
      %get3A_323 = tpu.vector_load %arg5[%get3A_321, %get3A_322] {strides = array<i32>} : memref<32x320xi32, #tpu.memory_space<vmem>>, vector<16xi32>,
      %ge3A_324 = arith.constant 0 : i32
      %ge3A_325 = vector.broadcast %ge3A_324 : i32 to vector<16xi32>
      %ge3A_326 = arith.cmpi sge, %get3A_323, %ge3A_325 : vector<16xi32>
      %select_n3A_327 = arith.select %ge3A_326, %get3A_323, %select_n3A_319 : vector<16xi1>, vector<16xi32>
      %get3A_328 = arith.constant 29 : i32
      %get3A_329 = arith.index_cast %get3A_328 : i32 to index
      %get3A_330 = arith.index_cast %mul3A_88 : i32 to index
      %get3A_331 = tpu.vector_load %arg5[%get3A_329, %get3A_330] {strides = array<i32>} : memref<32x320xi32, #tpu.memory_space<vmem>>, vector<16xi32>,
      %ge3A_332 = arith.constant 0 : i32
      %ge3A_333 = vector.broadcast %ge3A_332 : i32 to vector<16xi32>
      %ge3A_334 = arith.cmpi sge, %get3A_331, %ge3A_333 : vector<16xi32>
      %select_n3A_335 = arith.select %ge3A_334, %get3A_331, %select_n3A_327 : vector<16xi1>, vector<16xi32>
      %get3A_336 = arith.constant 30 : i32
      %get3A_337 = arith.index_cast %get3A_336 : i32 to index
      %get3A_338 = arith.index_cast %mul3A_88 : i32 to index
      %get3A_339 = tpu.vector_load %arg5[%get3A_337, %get3A_338] {strides = array<i32>} : memref<32x320xi32, #tpu.memory_space<vmem>>, vector<16xi32>,
      %ge3A_340 = arith.constant 0 : i32
      %ge3A_341 = vector.broadcast %ge3A_340 : i32 to vector<16xi32>
      %ge3A_342 = arith.cmpi sge, %get3A_339, %ge3A_341 : vector<16xi32>
      %select_n3A_343 = arith.select %ge3A_342, %get3A_339, %select_n3A_335 : vector<16xi1>, vector<16xi32>
      %get3A_344 = arith.constant 31 : i32
      %get3A_345 = arith.index_cast %get3A_344 : i32 to index
      %get3A_346 = arith.index_cast %mul3A_88 : i32 to index
      %get3A_347 = tpu.vector_load %arg5[%get3A_345, %get3A_346] {strides = array<i32>} : memref<32x320xi32, #tpu.memory_space<vmem>>, vector<16xi32>,
      %ge3A_348 = arith.constant 0 : i32
      %ge3A_349 = vector.broadcast %ge3A_348 : i32 to vector<16xi32>
      %ge3A_350 = arith.cmpi sge, %get3A_347, %ge3A_349 : vector<16xi32>
      %select_n3A_351 = arith.select %ge3A_350, %get3A_347, %select_n3A_343 : vector<16xi1>, vector<16xi32>
      %swap3A = arith.index_cast %mul3A_88 : i32 to index
      %swap3A_352 = tpu.vector_load %arg6[%swap3A] {strides = array<i32>} : memref<320xi32, #tpu.memory_space<vmem>>, vector<16xi32>,
      tpu.vector_store %arg6[%swap3A], %select_n3A_351 {strides = array<i32>} : memref<320xi32, #tpu.memory_space<vmem>>, vector<16xi32>,
    }
    %scan3A_7 = arith.constant 20 : i32
    %dma_start3A = arith.constant 0 : i32
    %dma_start3A_8 = arith.constant 0 : i32
    %dma_start3A_9 = tpu.memref_slice %arg7[%dma_start3A, %dma_start3A_8] : memref<320x128xf32, #tpu.memory_space<vmem>> -> memref<64x128xf32, #tpu.memory_space<vmem>>
    %dma_start3A_10 = arith.constant 0 : i32
    %dma_start3A_11 = tpu.memref_slice %arg6[%dma_start3A_10] : memref<320xi32, #tpu.memory_space<vmem>> -> memref<64xi32, #tpu.memory_space<vmem>>
    %dma_start3A_12 = arith.constant 0 : i32
    %dma_start3A_13 = arith.constant 0 : i32
    %dma_start3A_14 = tpu.memref_slice %arg3[%dma_start3A_12, %dma_start3A_13] : memref<10256x128xf32, #tpu.memory_space<hbm>> -> memref<10256x128xf32, #tpu.memory_space<hbm>>
    tpu.enqueue_indirect_dma source(%dma_start3A_14 : memref<10256x128xf32, #tpu.memory_space<hbm>>) target(%dma_start3A_9 : memref<64x128xf32, #tpu.memory_space<vmem>>) offsets(%dma_start3A_11 : memref<64xi32, #tpu.memory_space<vmem>>) semaphore(%arg8 : memref<!tpu.dma_semaphore, #tpu.memory_space<semaphore_mem>>)
    %dma_start3A_15 = arith.constant 64 : i32
    %dma_start3A_16 = arith.constant 0 : i32
    %dma_start3A_17 = tpu.memref_slice %arg7[%dma_start3A_15, %dma_start3A_16] : memref<320x128xf32, #tpu.memory_space<vmem>> -> memref<64x128xf32, #tpu.memory_space<vmem>>
    %dma_start3A_18 = arith.constant 64 : i32
    %dma_start3A_19 = tpu.memref_slice %arg6[%dma_start3A_18] : memref<320xi32, #tpu.memory_space<vmem>> -> memref<64xi32, #tpu.memory_space<vmem>>
    %dma_start3A_20 = arith.constant 0 : i32
    %dma_start3A_21 = arith.constant 0 : i32
    %dma_start3A_22 = tpu.memref_slice %arg3[%dma_start3A_20, %dma_start3A_21] : memref<10256x128xf32, #tpu.memory_space<hbm>> -> memref<10256x128xf32, #tpu.memory_space<hbm>>
    tpu.enqueue_indirect_dma source(%dma_start3A_22 : memref<10256x128xf32, #tpu.memory_space<hbm>>) target(%dma_start3A_17 : memref<64x128xf32, #tpu.memory_space<vmem>>) offsets(%dma_start3A_19 : memref<64xi32, #tpu.memory_space<vmem>>) semaphore(%arg8 : memref<!tpu.dma_semaphore, #tpu.memory_space<semaphore_mem>>)
    %dma_start3A_23 = arith.constant 128 : i32
    %dma_start3A_24 = arith.constant 0 : i32
    %dma_start3A_25 = tpu.memref_slice %arg7[%dma_start3A_23, %dma_start3A_24] : memref<320x128xf32, #tpu.memory_space<vmem>> -> memref<64x128xf32, #tpu.memory_space<vmem>>
    %dma_start3A_26 = arith.constant 128 : i32
    %dma_start3A_27 = tpu.memref_slice %arg6[%dma_start3A_26] : memref<320xi32, #tpu.memory_space<vmem>> -> memref<64xi32, #tpu.memory_space<vmem>>
    %dma_start3A_28 = arith.constant 0 : i32
    %dma_start3A_29 = arith.constant 0 : i32
    %dma_start3A_30 = tpu.memref_slice %arg3[%dma_start3A_28, %dma_start3A_29] : memref<10256x128xf32, #tpu.memory_space<hbm>> -> memref<10256x128xf32, #tpu.memory_space<hbm>>
    tpu.enqueue_indirect_dma source(%dma_start3A_30 : memref<10256x128xf32, #tpu.memory_space<hbm>>) target(%dma_start3A_25 : memref<64x128xf32, #tpu.memory_space<vmem>>) offsets(%dma_start3A_27 : memref<64xi32, #tpu.memory_space<vmem>>) semaphore(%arg8 : memref<!tpu.dma_semaphore, #tpu.memory_space<semaphore_mem>>)
    %dma_start3A_31 = arith.constant 192 : i32
    %dma_start3A_32 = arith.constant 0 : i32
    %dma_start3A_33 = tpu.memref_slice %arg7[%dma_start3A_31, %dma_start3A_32] : memref<320x128xf32, #tpu.memory_space<vmem>> -> memref<64x128xf32, #tpu.memory_space<vmem>>
    %dma_start3A_34 = arith.constant 192 : i32
    %dma_start3A_35 = tpu.memref_slice %arg6[%dma_start3A_34] : memref<320xi32, #tpu.memory_space<vmem>> -> memref<64xi32, #tpu.memory_space<vmem>>
    %dma_start3A_36 = arith.constant 0 : i32
    %dma_start3A_37 = arith.constant 0 : i32
    %dma_start3A_38 = tpu.memref_slice %arg3[%dma_start3A_36, %dma_start3A_37] : memref<10256x128xf32, #tpu.memory_space<hbm>> -> memref<10256x128xf32, #tpu.memory_space<hbm>>
    tpu.enqueue_indirect_dma source(%dma_start3A_38 : memref<10256x128xf32, #tpu.memory_space<hbm>>) target(%dma_start3A_33 : memref<64x128xf32, #tpu.memory_space<vmem>>) offsets(%dma_start3A_35 : memref<64xi32, #tpu.memory_space<vmem>>) semaphore(%arg8 : memref<!tpu.dma_semaphore, #tpu.memory_space<semaphore_mem>>)
    %dma_start3A_39 = arith.constant 256 : i32
    %dma_start3A_40 = arith.constant 0 : i32
    %dma_start3A_41 = tpu.memref_slice %arg7[%dma_start3A_39, %dma_start3A_40] : memref<320x128xf32, #tpu.memory_space<vmem>> -> memref<64x128xf32, #tpu.memory_space<vmem>>
    %dma_start3A_42 = arith.constant 256 : i32
    %dma_start3A_43 = tpu.memref_slice %arg6[%dma_start3A_42] : memref<320xi32, #tpu.memory_space<vmem>> -> memref<64xi32, #tpu.memory_space<vmem>>
    %dma_start3A_44 = arith.constant 0 : i32
    %dma_start3A_45 = arith.constant 0 : i32
    %dma_start3A_46 = tpu.memref_slice %arg3[%dma_start3A_44, %dma_start3A_45] : memref<10256x128xf32, #tpu.memory_space<hbm>> -> memref<10256x128xf32, #tpu.memory_space<hbm>>
    tpu.enqueue_indirect_dma source(%dma_start3A_46 : memref<10256x128xf32, #tpu.memory_space<hbm>>) target(%dma_start3A_41 : memref<64x128xf32, #tpu.memory_space<vmem>>) offsets(%dma_start3A_43 : memref<64xi32, #tpu.memory_space<vmem>>) semaphore(%arg8 : memref<!tpu.dma_semaphore, #tpu.memory_space<semaphore_mem>>)
    %dma_wait3A = arith.constant 0 : i32
    %dma_wait3A_47 = arith.constant 0 : i32
    %dma_wait3A_48 = tpu.memref_slice %arg7[%dma_wait3A, %dma_wait3A_47] : memref<320x128xf32, #tpu.memory_space<vmem>> -> memref<64x128xf32, #tpu.memory_space<vmem>>
    %dma_wait3A_49 = arith.constant 0 : i32
    %dma_wait3A_50 = tpu.memref_slice %arg6[%dma_wait3A_49] : memref<320xi32, #tpu.memory_space<vmem>> -> memref<64xi32, #tpu.memory_space<vmem>>
    %dma_wait3A_51 = arith.constant 0 : i32
    %dma_wait3A_52 = arith.constant 0 : i32
    %dma_wait3A_53 = tpu.memref_slice %arg3[%dma_wait3A_51, %dma_wait3A_52] : memref<10256x128xf32, #tpu.memory_space<hbm>> -> memref<10256x128xf32, #tpu.memory_space<hbm>>
    tpu.wait_indirect_dma semaphore(%arg8 : memref<!tpu.dma_semaphore, #tpu.memory_space<semaphore_mem>>) src(%dma_wait3A_53 : memref<10256x128xf32, #tpu.memory_space<hbm>>) dst(%dma_wait3A_48 : memref<64x128xf32, #tpu.memory_space<vmem>>)
    %dma_wait3A_54 = arith.constant 64 : i32
    %dma_wait3A_55 = arith.constant 0 : i32
    %dma_wait3A_56 = tpu.memref_slice %arg7[%dma_wait3A_54, %dma_wait3A_55] : memref<320x128xf32, #tpu.memory_space<vmem>> -> memref<64x128xf32, #tpu.memory_space<vmem>>
    %dma_wait3A_57 = arith.constant 64 : i32
    %dma_wait3A_58 = tpu.memref_slice %arg6[%dma_wait3A_57] : memref<320xi32, #tpu.memory_space<vmem>> -> memref<64xi32, #tpu.memory_space<vmem>>
    %dma_wait3A_59 = arith.constant 0 : i32
    %dma_wait3A_60 = arith.constant 0 : i32
    %dma_wait3A_61 = tpu.memref_slice %arg3[%dma_wait3A_59, %dma_wait3A_60] : memref<10256x128xf32, #tpu.memory_space<hbm>> -> memref<10256x128xf32, #tpu.memory_space<hbm>>
    tpu.wait_indirect_dma semaphore(%arg8 : memref<!tpu.dma_semaphore, #tpu.memory_space<semaphore_mem>>) src(%dma_wait3A_61 : memref<10256x128xf32, #tpu.memory_space<hbm>>) dst(%dma_wait3A_56 : memref<64x128xf32, #tpu.memory_space<vmem>>)
    %dma_wait3A_62 = arith.constant 128 : i32
    %dma_wait3A_63 = arith.constant 0 : i32
    %dma_wait3A_64 = tpu.memref_slice %arg7[%dma_wait3A_62, %dma_wait3A_63] : memref<320x128xf32, #tpu.memory_space<vmem>> -> memref<64x128xf32, #tpu.memory_space<vmem>>
    %dma_wait3A_65 = arith.constant 128 : i32
    %dma_wait3A_66 = tpu.memref_slice %arg6[%dma_wait3A_65] : memref<320xi32, #tpu.memory_space<vmem>> -> memref<64xi32, #tpu.memory_space<vmem>>
    %dma_wait3A_67 = arith.constant 0 : i32
    %dma_wait3A_68 = arith.constant 0 : i32
    %dma_wait3A_69 = tpu.memref_slice %arg3[%dma_wait3A_67, %dma_wait3A_68] : memref<10256x128xf32, #tpu.memory_space<hbm>> -> memref<10256x128xf32, #tpu.memory_space<hbm>>
    tpu.wait_indirect_dma semaphore(%arg8 : memref<!tpu.dma_semaphore, #tpu.memory_space<semaphore_mem>>) src(%dma_wait3A_69 : memref<10256x128xf32, #tpu.memory_space<hbm>>) dst(%dma_wait3A_64 : memref<64x128xf32, #tpu.memory_space<vmem>>)
    %dma_wait3A_70 = arith.constant 192 : i32
    %dma_wait3A_71 = arith.constant 0 : i32
    %dma_wait3A_72 = tpu.memref_slice %arg7[%dma_wait3A_70, %dma_wait3A_71] : memref<320x128xf32, #tpu.memory_space<vmem>> -> memref<64x128xf32, #tpu.memory_space<vmem>>
    %dma_wait3A_73 = arith.constant 192 : i32
    %dma_wait3A_74 = tpu.memref_slice %arg6[%dma_wait3A_73] : memref<320xi32, #tpu.memory_space<vmem>> -> memref<64xi32, #tpu.memory_space<vmem>>
    %dma_wait3A_75 = arith.constant 0 : i32
    %dma_wait3A_76 = arith.constant 0 : i32
    %dma_wait3A_77 = tpu.memref_slice %arg3[%dma_wait3A_75, %dma_wait3A_76] : memref<10256x128xf32, #tpu.memory_space<hbm>> -> memref<10256x128xf32, #tpu.memory_space<hbm>>
    tpu.wait_indirect_dma semaphore(%arg8 : memref<!tpu.dma_semaphore, #tpu.memory_space<semaphore_mem>>) src(%dma_wait3A_77 : memref<10256x128xf32, #tpu.memory_space<hbm>>) dst(%dma_wait3A_72 : memref<64x128xf32, #tpu.memory_space<vmem>>)
    %dma_wait3A_78 = arith.constant 256 : i32
    %dma_wait3A_79 = arith.constant 0 : i32
    %dma_wait3A_80 = tpu.memref_slice %arg7[%dma_wait3A_78, %dma_wait3A_79] : memref<320x128xf32, #tpu.memory_space<vmem>> -> memref<64x128xf32, #tpu.memory_space<vmem>>
    %dma_wait3A_81 = arith.constant 256 : i32
    %dma_wait3A_82 = tpu.memref_slice %arg6[%dma_wait3A_81] : memref<320xi32, #tpu.memory_space<vmem>> -> memref<64xi32, #tpu.memory_space<vmem>>
    %dma_wait3A_83 = arith.constant 0 : i32
    %dma_wait3A_84 = arith.constant 0 : i32
    %dma_wait3A_85 = tpu.memref_slice %arg3[%dma_wait3A_83, %dma_wait3A_84] : memref<10256x128xf32, #tpu.memory_space<hbm>> -> memref<10256x128xf32, #tpu.memory_space<hbm>>
    tpu.wait_indirect_dma semaphore(%arg8 : memref<!tpu.dma_semaphore, #tpu.memory_space<semaphore_mem>>) src(%dma_wait3A_85 : memref<10256x128xf32, #tpu.memory_space<hbm>>) dst(%dma_wait3A_80 : memref<64x128xf32, #tpu.memory_space<vmem>>)
    "tpu.region"() ({
      %run_scoped3A = tpu.sem_alloc : memref<!tpu.dma_semaphore, #tpu.memory_space<semaphore_mem>>
      %dma_start3A_86 = arith.constant 0 : i32
      %dma_start3A_87 = tpu.memref_slice %arg4[%mul3A_2, %dma_start3A_86] : memref<10240x128xf32, #tpu.memory_space<hbm>> -> memref<320x128xf32, #tpu.memory_space<hbm>>
      %dma_start3A_88 = arith.constant 0 : i32
      %dma_start3A_89 = tpu.memref_slice %arg4[%mul3A_2, %dma_start3A_88] : memref<10240x128xf32, #tpu.memory_space<hbm>> -> memref<320x128xf32, #tpu.memory_space<hbm>>
      tpu.enqueue_dma source(%arg7 : memref<320x128xf32, #tpu.memory_space<vmem>>) target(%dma_start3A_89 : memref<320x128xf32, #tpu.memory_space<hbm>>) target_semaphore(%run_scoped3A : memref<!tpu.dma_semaphore, #tpu.memory_space<semaphore_mem>>)
      %dma_wait3A_90 = arith.constant 0 : i32
      %dma_wait3A_91 = tpu.memref_slice %arg4[%mul3A_2, %dma_wait3A_90] : memref<10240x128xf32, #tpu.memory_space<hbm>> -> memref<320x128xf32, #tpu.memory_space<hbm>>
      %dma_wait3A_92 = arith.constant 0 : i32
      %dma_wait3A_93 = tpu.memref_slice %arg4[%mul3A_2, %dma_wait3A_92] : memref<10240x128xf32, #tpu.memory_space<hbm>> -> memref<320x128xf32, #tpu.memory_space<hbm>>
      tpu.wait_dma2 semaphore(%run_scoped3A : memref<!tpu.dma_semaphore, #tpu.memory_space<semaphore_mem>>) src(%arg7 : memref<320x128xf32, #tpu.memory_space<vmem>>) dst(%dma_wait3A_93 : memref<320x128xf32, #tpu.memory_space<hbm>>)
      tpu.yield
    }) : () -> ()
    return
  }
}

#map = affine_map<(d0, d1) -> (0, 0, 0)>
#map1 = affine_map<(d0, d1) -> (0, 0)>
module attributes {stable_mosaic.version = 14 : i64} {
  func.func @_lastsrc_kernel(%arg0: i32, %arg1: i32, %arg2: memref<2500x2x128xi32, #tpu.memory_space<hbm>>, %arg3: memref<32x10240xi32, #tpu.memory_space<hbm>>, %arg4: memref<79x2x128xi32, #tpu.memory_space<vmem>>, %arg5: memref<10240xi32, #tpu.memory_space<vmem>>, %arg6: memref<!tpu.dma_semaphore, #tpu.memory_space<semaphore_mem>>) attributes {dimension_semantics = [#tpu.dimension_semantics<core_parallel>, #tpu.dimension_semantics<subcore_parallel>], iteration_bounds = array<i64: 2, 16>, scalar_prefetch = 0 : i64, scratch_operands = 3 : i64, tpu.core_type = #tpu.core_type<sc_vector_subcore>, window_params = [{transform_indices = #map}, {transform_indices = #map1}]} {
    %mul3A = arith.constant 2 : i32
    %mul3A_0 = arith.muli %arg1, %mul3A : i32
    %add3A = arith.addi %mul3A_0, %arg0 : i32
    %mul3A_1 = arith.constant 78 : i32
    %mul3A_2 = arith.muli %add3A, %mul3A_1 : i32
    %min3A = arith.constant 4 : i32
    %min3A_3 = arith.minsi %add3A, %min3A : i32
    %add3A_4 = arith.addi %mul3A_2, %min3A_3 : i32
    %min3A_5 = arith.constant 2421 : i32
    %min3A_6 = arith.minsi %add3A_4, %min3A_5 : i32
    %broadcast_in_dim3A = arith.constant -1 : i32
    %broadcast_in_dim3A_7 = vector.broadcast %broadcast_in_dim3A : i32 to vector<16xi32>
    %dma_start3A = arith.constant 0 : i32
    %dma_start3A_8 = arith.constant 0 : i32
    %dma_start3A_9 = arith.constant 0 : i32
    %dma_start3A_10 = tpu.memref_slice %arg4[%dma_start3A, %dma_start3A_8, %dma_start3A_9] : memref<79x2x128xi32, #tpu.memory_space<vmem>> -> memref<39x2x128xi32, #tpu.memory_space<vmem>>
    %dma_start3A_11 = arith.constant 0 : i32
    %dma_start3A_12 = arith.constant 0 : i32
    %dma_start3A_13 = tpu.memref_slice %arg2[%min3A_6, %dma_start3A_11, %dma_start3A_12] : memref<2500x2x128xi32, #tpu.memory_space<hbm>> -> memref<39x2x128xi32, #tpu.memory_space<hbm>>
    %dma_start3A_14 = arith.constant 0 : i32
    %dma_start3A_15 = arith.constant 0 : i32
    %dma_start3A_16 = arith.constant 0 : i32
    %dma_start3A_17 = tpu.memref_slice %arg4[%dma_start3A_14, %dma_start3A_15, %dma_start3A_16] : memref<79x2x128xi32, #tpu.memory_space<vmem>> -> memref<39x2x128xi32, #tpu.memory_space<vmem>>
    %dma_start3A_18 = arith.constant 0 : i32
    %dma_start3A_19 = arith.constant 0 : i32
    %dma_start3A_20 = tpu.memref_slice %arg2[%min3A_6, %dma_start3A_18, %dma_start3A_19] : memref<2500x2x128xi32, #tpu.memory_space<hbm>> -> memref<39x2x128xi32, #tpu.memory_space<hbm>>
    tpu.enqueue_dma source(%dma_start3A_20 : memref<39x2x128xi32, #tpu.memory_space<hbm>>) target(%dma_start3A_17 : memref<39x2x128xi32, #tpu.memory_space<vmem>>) target_semaphore(%arg6 : memref<!tpu.dma_semaphore, #tpu.memory_space<semaphore_mem>>)
    %add3A_21 = arith.constant 39 : i32
    %add3A_22 = arith.addi %min3A_6, %add3A_21 : i32
    %dma_start3A_23 = arith.constant 39 : i32
    %dma_start3A_24 = arith.constant 0 : i32
    %dma_start3A_25 = arith.constant 0 : i32
    %dma_start3A_26 = tpu.memref_slice %arg4[%dma_start3A_23, %dma_start3A_24, %dma_start3A_25] : memref<79x2x128xi32, #tpu.memory_space<vmem>> -> memref<40x2x128xi32, #tpu.memory_space<vmem>>
    %dma_start3A_27 = arith.constant 0 : i32
    %dma_start3A_28 = arith.constant 0 : i32
    %dma_start3A_29 = tpu.memref_slice %arg2[%add3A_22, %dma_start3A_27, %dma_start3A_28] : memref<2500x2x128xi32, #tpu.memory_space<hbm>> -> memref<40x2x128xi32, #tpu.memory_space<hbm>>
    %dma_start3A_30 = arith.constant 39 : i32
    %dma_start3A_31 = arith.constant 0 : i32
    %dma_start3A_32 = arith.constant 0 : i32
    %dma_start3A_33 = tpu.memref_slice %arg4[%dma_start3A_30, %dma_start3A_31, %dma_start3A_32] : memref<79x2x128xi32, #tpu.memory_space<vmem>> -> memref<40x2x128xi32, #tpu.memory_space<vmem>>
    %dma_start3A_34 = arith.constant 0 : i32
    %dma_start3A_35 = arith.constant 0 : i32
    %dma_start3A_36 = tpu.memref_slice %arg2[%add3A_22, %dma_start3A_34, %dma_start3A_35] : memref<2500x2x128xi32, #tpu.memory_space<hbm>> -> memref<40x2x128xi32, #tpu.memory_space<hbm>>
    tpu.enqueue_dma source(%dma_start3A_36 : memref<40x2x128xi32, #tpu.memory_space<hbm>>) target(%dma_start3A_33 : memref<40x2x128xi32, #tpu.memory_space<vmem>>) target_semaphore(%arg6 : memref<!tpu.dma_semaphore, #tpu.memory_space<semaphore_mem>>)
    %scan3A = arith.constant 0 : i32
    %scan3A_37 = arith.constant 0 : i32
    %scan3A_38 = arith.constant 80 : i32
    %scan3A_39 = arith.addi %scan3A_37, %scan3A_38 : i32
    %scan3A_40 = arith.constant 1 : i32
    scf.for %scan3A_81 = %scan3A_37 to %scan3A_39 step %scan3A_40  : i32 {
      %mul3A_82 = arith.constant 8 : i32
      %mul3A_83 = arith.muli %scan3A_81, %mul3A_82 : i32
      %add3A_84 = arith.constant 0 : i32
      %add3A_85 = arith.addi %mul3A_83, %add3A_84 : i32
      %mul3A_86 = arith.constant 16 : i32
      %mul3A_87 = arith.muli %add3A_85, %mul3A_86 : i32
      %swap3A = arith.index_cast %mul3A_87 : i32 to index
      %swap3A_88 = tpu.vector_load %arg5[%swap3A] {strides = array<i32>} : memref<10240xi32, #tpu.memory_space<vmem>>, vector<16xi32>,
      tpu.vector_store %arg5[%swap3A], %broadcast_in_dim3A_7 {strides = array<i32>} : memref<10240xi32, #tpu.memory_space<vmem>>, vector<16xi32>,
      %mul3A_89 = arith.constant 8 : i32
      %mul3A_90 = arith.muli %scan3A_81, %mul3A_89 : i32
      %add3A_91 = arith.constant 1 : i32
      %add3A_92 = arith.addi %mul3A_90, %add3A_91 : i32
      %mul3A_93 = arith.constant 16 : i32
      %mul3A_94 = arith.muli %add3A_92, %mul3A_93 : i32
      %swap3A_95 = arith.index_cast %mul3A_94 : i32 to index
      %swap3A_96 = tpu.vector_load %arg5[%swap3A_95] {strides = array<i32>} : memref<10240xi32, #tpu.memory_space<vmem>>, vector<16xi32>,
      tpu.vector_store %arg5[%swap3A_95], %broadcast_in_dim3A_7 {strides = array<i32>} : memref<10240xi32, #tpu.memory_space<vmem>>, vector<16xi32>,
      %mul3A_97 = arith.constant 8 : i32
      %mul3A_98 = arith.muli %scan3A_81, %mul3A_97 : i32
      %add3A_99 = arith.constant 2 : i32
      %add3A_100 = arith.addi %mul3A_98, %add3A_99 : i32
      %mul3A_101 = arith.constant 16 : i32
      %mul3A_102 = arith.muli %add3A_100, %mul3A_101 : i32
      %swap3A_103 = arith.index_cast %mul3A_102 : i32 to index
      %swap3A_104 = tpu.vector_load %arg5[%swap3A_103] {strides = array<i32>} : memref<10240xi32, #tpu.memory_space<vmem>>, vector<16xi32>,
      tpu.vector_store %arg5[%swap3A_103], %broadcast_in_dim3A_7 {strides = array<i32>} : memref<10240xi32, #tpu.memory_space<vmem>>, vector<16xi32>,
      %mul3A_105 = arith.constant 8 : i32
      %mul3A_106 = arith.muli %scan3A_81, %mul3A_105 : i32
      %add3A_107 = arith.constant 3 : i32
      %add3A_108 = arith.addi %mul3A_106, %add3A_107 : i32
      %mul3A_109 = arith.constant 16 : i32
      %mul3A_110 = arith.muli %add3A_108, %mul3A_109 : i32
      %swap3A_111 = arith.index_cast %mul3A_110 : i32 to index
      %swap3A_112 = tpu.vector_load %arg5[%swap3A_111] {strides = array<i32>} : memref<10240xi32, #tpu.memory_space<vmem>>, vector<16xi32>,
      tpu.vector_store %arg5[%swap3A_111], %broadcast_in_dim3A_7 {strides = array<i32>} : memref<10240xi32, #tpu.memory_space<vmem>>, vector<16xi32>,
      %mul3A_113 = arith.constant 8 : i32
      %mul3A_114 = arith.muli %scan3A_81, %mul3A_113 : i32
      %add3A_115 = arith.constant 4 : i32
      %add3A_116 = arith.addi %mul3A_114, %add3A_115 : i32
      %mul3A_117 = arith.constant 16 : i32
      %mul3A_118 = arith.muli %add3A_116, %mul3A_117 : i32
      %swap3A_119 = arith.index_cast %mul3A_118 : i32 to index
      %swap3A_120 = tpu.vector_load %arg5[%swap3A_119] {strides = array<i32>} : memref<10240xi32, #tpu.memory_space<vmem>>, vector<16xi32>,
      tpu.vector_store %arg5[%swap3A_119], %broadcast_in_dim3A_7 {strides = array<i32>} : memref<10240xi32, #tpu.memory_space<vmem>>, vector<16xi32>,
      %mul3A_121 = arith.constant 8 : i32
      %mul3A_122 = arith.muli %scan3A_81, %mul3A_121 : i32
      %add3A_123 = arith.constant 5 : i32
      %add3A_124 = arith.addi %mul3A_122, %add3A_123 : i32
      %mul3A_125 = arith.constant 16 : i32
      %mul3A_126 = arith.muli %add3A_124, %mul3A_125 : i32
      %swap3A_127 = arith.index_cast %mul3A_126 : i32 to index
      %swap3A_128 = tpu.vector_load %arg5[%swap3A_127] {strides = array<i32>} : memref<10240xi32, #tpu.memory_space<vmem>>, vector<16xi32>,
      tpu.vector_store %arg5[%swap3A_127], %broadcast_in_dim3A_7 {strides = array<i32>} : memref<10240xi32, #tpu.memory_space<vmem>>, vector<16xi32>,
      %mul3A_129 = arith.constant 8 : i32
      %mul3A_130 = arith.muli %scan3A_81, %mul3A_129 : i32
      %add3A_131 = arith.constant 6 : i32
      %add3A_132 = arith.addi %mul3A_130, %add3A_131 : i32
      %mul3A_133 = arith.constant 16 : i32
      %mul3A_134 = arith.muli %add3A_132, %mul3A_133 : i32
      %swap3A_135 = arith.index_cast %mul3A_134 : i32 to index
      %swap3A_136 = tpu.vector_load %arg5[%swap3A_135] {strides = array<i32>} : memref<10240xi32, #tpu.memory_space<vmem>>, vector<16xi32>,
      tpu.vector_store %arg5[%swap3A_135], %broadcast_in_dim3A_7 {strides = array<i32>} : memref<10240xi32, #tpu.memory_space<vmem>>, vector<16xi32>,
      %mul3A_137 = arith.constant 8 : i32
      %mul3A_138 = arith.muli %scan3A_81, %mul3A_137 : i32
      %add3A_139 = arith.constant 7 : i32
      %add3A_140 = arith.addi %mul3A_138, %add3A_139 : i32
      %mul3A_141 = arith.constant 16 : i32
      %mul3A_142 = arith.muli %add3A_140, %mul3A_141 : i32
      %swap3A_143 = arith.index_cast %mul3A_142 : i32 to index
      %swap3A_144 = tpu.vector_load %arg5[%swap3A_143] {strides = array<i32>} : memref<10240xi32, #tpu.memory_space<vmem>>, vector<16xi32>,
      tpu.vector_store %arg5[%swap3A_143], %broadcast_in_dim3A_7 {strides = array<i32>} : memref<10240xi32, #tpu.memory_space<vmem>>, vector<16xi32>,
    }
    %scan3A_41 = arith.constant 80 : i32
    %dma_wait3A = arith.constant 0 : i32
    %dma_wait3A_42 = arith.constant 0 : i32
    %dma_wait3A_43 = arith.constant 0 : i32
    %dma_wait3A_44 = tpu.memref_slice %arg4[%dma_wait3A, %dma_wait3A_42, %dma_wait3A_43] : memref<79x2x128xi32, #tpu.memory_space<vmem>> -> memref<39x2x128xi32, #tpu.memory_space<vmem>>
    %dma_wait3A_45 = arith.constant 0 : i32
    %dma_wait3A_46 = arith.constant 0 : i32
    %dma_wait3A_47 = tpu.memref_slice %arg2[%min3A_6, %dma_wait3A_45, %dma_wait3A_46] : memref<2500x2x128xi32, #tpu.memory_space<hbm>> -> memref<39x2x128xi32, #tpu.memory_space<hbm>>
    %dma_wait3A_48 = arith.constant 0 : i32
    %dma_wait3A_49 = arith.constant 0 : i32
    %dma_wait3A_50 = arith.constant 0 : i32
    %dma_wait3A_51 = tpu.memref_slice %arg4[%dma_wait3A_48, %dma_wait3A_49, %dma_wait3A_50] : memref<79x2x128xi32, #tpu.memory_space<vmem>> -> memref<39x2x128xi32, #tpu.memory_space<vmem>>
    %dma_wait3A_52 = arith.constant 0 : i32
    %dma_wait3A_53 = arith.constant 0 : i32
    %dma_wait3A_54 = tpu.memref_slice %arg2[%min3A_6, %dma_wait3A_52, %dma_wait3A_53] : memref<2500x2x128xi32, #tpu.memory_space<hbm>> -> memref<39x2x128xi32, #tpu.memory_space<hbm>>
    tpu.wait_dma2 semaphore(%arg6 : memref<!tpu.dma_semaphore, #tpu.memory_space<semaphore_mem>>) src(%dma_wait3A_54 : memref<39x2x128xi32, #tpu.memory_space<hbm>>) dst(%dma_wait3A_51 : memref<39x2x128xi32, #tpu.memory_space<vmem>>)
    %scan3A_55 = arith.constant 0 : i32
    %scan3A_56 = arith.constant 0 : i32
    %scan3A_57 = arith.constant 39 : i32
    %scan3A_58 = arith.addi %scan3A_56, %scan3A_57 : i32
    %scan3A_59 = arith.constant 1 : i32
    scf.for %scan3A_81 = %scan3A_56 to %scan3A_58 step %scan3A_59  : i32 {
      %get3A = arith.constant 0 : i32
      %get3A_82 = arith.index_cast %scan3A_81 : i32 to index
      %get3A_83 = arith.index_cast %get3A : i32 to index
      %get3A_84 = arith.constant 0 : index
      %get3A_85 = tpu.vector_load %arg4[%get3A_82, %get3A_83, %get3A_84] {strides = array<i32>} : memref<79x2x128xi32, #tpu.memory_space<vmem>>, vector<16xi32>,
      %get3A_86 = arith.constant 1 : i32
      %get3A_87 = arith.index_cast %scan3A_81 : i32 to index
      %get3A_88 = arith.index_cast %get3A_86 : i32 to index
      %get3A_89 = arith.constant 0 : index
      %get3A_90 = tpu.vector_load %arg4[%get3A_87, %get3A_88, %get3A_89] {strides = array<i32>} : memref<79x2x128xi32, #tpu.memory_space<vmem>>, vector<16xi32>,
      tpu.vector_store_idx %arg5[%get3A_85], %get3A_90 : memref<10240xi32, #tpu.memory_space<vmem>>[vector<16xi32>], vector<16xi32>,
      %get3A_91 = arith.constant 0 : i32
      %get3A_92 = arith.index_cast %scan3A_81 : i32 to index
      %get3A_93 = arith.index_cast %get3A_91 : i32 to index
      %get3A_94 = arith.constant 16 : index
      %get3A_95 = tpu.vector_load %arg4[%get3A_92, %get3A_93, %get3A_94] {strides = array<i32>} : memref<79x2x128xi32, #tpu.memory_space<vmem>>, vector<16xi32>,
      %get3A_96 = arith.constant 1 : i32
      %get3A_97 = arith.index_cast %scan3A_81 : i32 to index
      %get3A_98 = arith.index_cast %get3A_96 : i32 to index
      %get3A_99 = arith.constant 16 : index
      %get3A_100 = tpu.vector_load %arg4[%get3A_97, %get3A_98, %get3A_99] {strides = array<i32>} : memref<79x2x128xi32, #tpu.memory_space<vmem>>, vector<16xi32>,
      tpu.vector_store_idx %arg5[%get3A_95], %get3A_100 : memref<10240xi32, #tpu.memory_space<vmem>>[vector<16xi32>], vector<16xi32>,
      %get3A_101 = arith.constant 0 : i32
      %get3A_102 = arith.index_cast %scan3A_81 : i32 to index
      %get3A_103 = arith.index_cast %get3A_101 : i32 to index
      %get3A_104 = arith.constant 32 : index
      %get3A_105 = tpu.vector_load %arg4[%get3A_102, %get3A_103, %get3A_104] {strides = array<i32>} : memref<79x2x128xi32, #tpu.memory_space<vmem>>, vector<16xi32>,
      %get3A_106 = arith.constant 1 : i32
      %get3A_107 = arith.index_cast %scan3A_81 : i32 to index
      %get3A_108 = arith.index_cast %get3A_106 : i32 to index
      %get3A_109 = arith.constant 32 : index
      %get3A_110 = tpu.vector_load %arg4[%get3A_107, %get3A_108, %get3A_109] {strides = array<i32>} : memref<79x2x128xi32, #tpu.memory_space<vmem>>, vector<16xi32>,
      tpu.vector_store_idx %arg5[%get3A_105], %get3A_110 : memref<10240xi32, #tpu.memory_space<vmem>>[vector<16xi32>], vector<16xi32>,
      %get3A_111 = arith.constant 0 : i32
      %get3A_112 = arith.index_cast %scan3A_81 : i32 to index
      %get3A_113 = arith.index_cast %get3A_111 : i32 to index
      %get3A_114 = arith.constant 48 : index
      %get3A_115 = tpu.vector_load %arg4[%get3A_112, %get3A_113, %get3A_114] {strides = array<i32>} : memref<79x2x128xi32, #tpu.memory_space<vmem>>, vector<16xi32>,
      %get3A_116 = arith.constant 1 : i32
      %get3A_117 = arith.index_cast %scan3A_81 : i32 to index
      %get3A_118 = arith.index_cast %get3A_116 : i32 to index
      %get3A_119 = arith.constant 48 : index
      %get3A_120 = tpu.vector_load %arg4[%get3A_117, %get3A_118, %get3A_119] {strides = array<i32>} : memref<79x2x128xi32, #tpu.memory_space<vmem>>, vector<16xi32>,
      tpu.vector_store_idx %arg5[%get3A_115], %get3A_120 : memref<10240xi32, #tpu.memory_space<vmem>>[vector<16xi32>], vector<16xi32>,
      %get3A_121 = arith.constant 0 : i32
      %get3A_122 = arith.index_cast %scan3A_81 : i32 to index
      %get3A_123 = arith.index_cast %get3A_121 : i32 to index
      %get3A_124 = arith.constant 64 : index
      %get3A_125 = tpu.vector_load %arg4[%get3A_122, %get3A_123, %get3A_124] {strides = array<i32>} : memref<79x2x128xi32, #tpu.memory_space<vmem>>, vector<16xi32>,
      %get3A_126 = arith.constant 1 : i32
      %get3A_127 = arith.index_cast %scan3A_81 : i32 to index
      %get3A_128 = arith.index_cast %get3A_126 : i32 to index
      %get3A_129 = arith.constant 64 : index
      %get3A_130 = tpu.vector_load %arg4[%get3A_127, %get3A_128, %get3A_129] {strides = array<i32>} : memref<79x2x128xi32, #tpu.memory_space<vmem>>, vector<16xi32>,
      tpu.vector_store_idx %arg5[%get3A_125], %get3A_130 : memref<10240xi32, #tpu.memory_space<vmem>>[vector<16xi32>], vector<16xi32>,
      %get3A_131 = arith.constant 0 : i32
      %get3A_132 = arith.index_cast %scan3A_81 : i32 to index
      %get3A_133 = arith.index_cast %get3A_131 : i32 to index
      %get3A_134 = arith.constant 80 : index
      %get3A_135 = tpu.vector_load %arg4[%get3A_132, %get3A_133, %get3A_134] {strides = array<i32>} : memref<79x2x128xi32, #tpu.memory_space<vmem>>, vector<16xi32>,
      %get3A_136 = arith.constant 1 : i32
      %get3A_137 = arith.index_cast %scan3A_81 : i32 to index
      %get3A_138 = arith.index_cast %get3A_136 : i32 to index
      %get3A_139 = arith.constant 80 : index
      %get3A_140 = tpu.vector_load %arg4[%get3A_137, %get3A_138, %get3A_139] {strides = array<i32>} : memref<79x2x128xi32, #tpu.memory_space<vmem>>, vector<16xi32>,
      tpu.vector_store_idx %arg5[%get3A_135], %get3A_140 : memref<10240xi32, #tpu.memory_space<vmem>>[vector<16xi32>], vector<16xi32>,
      %get3A_141 = arith.constant 0 : i32
      %get3A_142 = arith.index_cast %scan3A_81 : i32 to index
      %get3A_143 = arith.index_cast %get3A_141 : i32 to index
      %get3A_144 = arith.constant 96 : index
      %get3A_145 = tpu.vector_load %arg4[%get3A_142, %get3A_143, %get3A_144] {strides = array<i32>} : memref<79x2x128xi32, #tpu.memory_space<vmem>>, vector<16xi32>,
      %get3A_146 = arith.constant 1 : i32
      %get3A_147 = arith.index_cast %scan3A_81 : i32 to index
      %get3A_148 = arith.index_cast %get3A_146 : i32 to index
      %get3A_149 = arith.constant 96 : index
      %get3A_150 = tpu.vector_load %arg4[%get3A_147, %get3A_148, %get3A_149] {strides = array<i32>} : memref<79x2x128xi32, #tpu.memory_space<vmem>>, vector<16xi32>,
      tpu.vector_store_idx %arg5[%get3A_145], %get3A_150 : memref<10240xi32, #tpu.memory_space<vmem>>[vector<16xi32>], vector<16xi32>,
      %get3A_151 = arith.constant 0 : i32
      %get3A_152 = arith.index_cast %scan3A_81 : i32 to index
      %get3A_153 = arith.index_cast %get3A_151 : i32 to index
      %get3A_154 = arith.constant 112 : index
      %get3A_155 = tpu.vector_load %arg4[%get3A_152, %get3A_153, %get3A_154] {strides = array<i32>} : memref<79x2x128xi32, #tpu.memory_space<vmem>>, vector<16xi32>,
      %get3A_156 = arith.constant 1 : i32
      %get3A_157 = arith.index_cast %scan3A_81 : i32 to index
      %get3A_158 = arith.index_cast %get3A_156 : i32 to index
      %get3A_159 = arith.constant 112 : index
      %get3A_160 = tpu.vector_load %arg4[%get3A_157, %get3A_158, %get3A_159] {strides = array<i32>} : memref<79x2x128xi32, #tpu.memory_space<vmem>>, vector<16xi32>,
      tpu.vector_store_idx %arg5[%get3A_155], %get3A_160 : memref<10240xi32, #tpu.memory_space<vmem>>[vector<16xi32>], vector<16xi32>,
    }
    %scan3A_60 = arith.constant 39 : i32
    %dma_wait3A_61 = arith.constant 39 : i32
    %dma_wait3A_62 = arith.constant 0 : i32
    %dma_wait3A_63 = arith.constant 0 : i32
    %dma_wait3A_64 = tpu.memref_slice %arg4[%dma_wait3A_61, %dma_wait3A_62, %dma_wait3A_63] : memref<79x2x128xi32, #tpu.memory_space<vmem>> -> memref<40x2x128xi32, #tpu.memory_space<vmem>>
    %dma_wait3A_65 = arith.constant 0 : i32
    %dma_wait3A_66 = arith.constant 0 : i32
    %dma_wait3A_67 = tpu.memref_slice %arg2[%add3A_22, %dma_wait3A_65, %dma_wait3A_66] : memref<2500x2x128xi32, #tpu.memory_space<hbm>> -> memref<40x2x128xi32, #tpu.memory_space<hbm>>
    %dma_wait3A_68 = arith.constant 39 : i32
    %dma_wait3A_69 = arith.constant 0 : i32
    %dma_wait3A_70 = arith.constant 0 : i32
    %dma_wait3A_71 = tpu.memref_slice %arg4[%dma_wait3A_68, %dma_wait3A_69, %dma_wait3A_70] : memref<79x2x128xi32, #tpu.memory_space<vmem>> -> memref<40x2x128xi32, #tpu.memory_space<vmem>>
    %dma_wait3A_72 = arith.constant 0 : i32
    %dma_wait3A_73 = arith.constant 0 : i32
    %dma_wait3A_74 = tpu.memref_slice %arg2[%add3A_22, %dma_wait3A_72, %dma_wait3A_73] : memref<2500x2x128xi32, #tpu.memory_space<hbm>> -> memref<40x2x128xi32, #tpu.memory_space<hbm>>
    tpu.wait_dma2 semaphore(%arg6 : memref<!tpu.dma_semaphore, #tpu.memory_space<semaphore_mem>>) src(%dma_wait3A_74 : memref<40x2x128xi32, #tpu.memory_space<hbm>>) dst(%dma_wait3A_71 : memref<40x2x128xi32, #tpu.memory_space<vmem>>)
    %scan3A_75 = arith.constant 0 : i32
    %scan3A_76 = arith.constant 39 : i32
    %scan3A_77 = arith.constant 40 : i32
    %scan3A_78 = arith.addi %scan3A_76, %scan3A_77 : i32
    %scan3A_79 = arith.constant 1 : i32
    scf.for %scan3A_81 = %scan3A_76 to %scan3A_78 step %scan3A_79  : i32 {
      %get3A = arith.constant 0 : i32
      %get3A_82 = arith.index_cast %scan3A_81 : i32 to index
      %get3A_83 = arith.index_cast %get3A : i32 to index
      %get3A_84 = arith.constant 0 : index
      %get3A_85 = tpu.vector_load %arg4[%get3A_82, %get3A_83, %get3A_84] {strides = array<i32>} : memref<79x2x128xi32, #tpu.memory_space<vmem>>, vector<16xi32>,
      %get3A_86 = arith.constant 1 : i32
      %get3A_87 = arith.index_cast %scan3A_81 : i32 to index
      %get3A_88 = arith.index_cast %get3A_86 : i32 to index
      %get3A_89 = arith.constant 0 : index
      %get3A_90 = tpu.vector_load %arg4[%get3A_87, %get3A_88, %get3A_89] {strides = array<i32>} : memref<79x2x128xi32, #tpu.memory_space<vmem>>, vector<16xi32>,
      tpu.vector_store_idx %arg5[%get3A_85], %get3A_90 : memref<10240xi32, #tpu.memory_space<vmem>>[vector<16xi32>], vector<16xi32>,
      %get3A_91 = arith.constant 0 : i32
      %get3A_92 = arith.index_cast %scan3A_81 : i32 to index
      %get3A_93 = arith.index_cast %get3A_91 : i32 to index
      %get3A_94 = arith.constant 16 : index
      %get3A_95 = tpu.vector_load %arg4[%get3A_92, %get3A_93, %get3A_94] {strides = array<i32>} : memref<79x2x128xi32, #tpu.memory_space<vmem>>, vector<16xi32>,
      %get3A_96 = arith.constant 1 : i32
      %get3A_97 = arith.index_cast %scan3A_81 : i32 to index
      %get3A_98 = arith.index_cast %get3A_96 : i32 to index
      %get3A_99 = arith.constant 16 : index
      %get3A_100 = tpu.vector_load %arg4[%get3A_97, %get3A_98, %get3A_99] {strides = array<i32>} : memref<79x2x128xi32, #tpu.memory_space<vmem>>, vector<16xi32>,
      tpu.vector_store_idx %arg5[%get3A_95], %get3A_100 : memref<10240xi32, #tpu.memory_space<vmem>>[vector<16xi32>], vector<16xi32>,
      %get3A_101 = arith.constant 0 : i32
      %get3A_102 = arith.index_cast %scan3A_81 : i32 to index
      %get3A_103 = arith.index_cast %get3A_101 : i32 to index
      %get3A_104 = arith.constant 32 : index
      %get3A_105 = tpu.vector_load %arg4[%get3A_102, %get3A_103, %get3A_104] {strides = array<i32>} : memref<79x2x128xi32, #tpu.memory_space<vmem>>, vector<16xi32>,
      %get3A_106 = arith.constant 1 : i32
      %get3A_107 = arith.index_cast %scan3A_81 : i32 to index
      %get3A_108 = arith.index_cast %get3A_106 : i32 to index
      %get3A_109 = arith.constant 32 : index
      %get3A_110 = tpu.vector_load %arg4[%get3A_107, %get3A_108, %get3A_109] {strides = array<i32>} : memref<79x2x128xi32, #tpu.memory_space<vmem>>, vector<16xi32>,
      tpu.vector_store_idx %arg5[%get3A_105], %get3A_110 : memref<10240xi32, #tpu.memory_space<vmem>>[vector<16xi32>], vector<16xi32>,
      %get3A_111 = arith.constant 0 : i32
      %get3A_112 = arith.index_cast %scan3A_81 : i32 to index
      %get3A_113 = arith.index_cast %get3A_111 : i32 to index
      %get3A_114 = arith.constant 48 : index
      %get3A_115 = tpu.vector_load %arg4[%get3A_112, %get3A_113, %get3A_114] {strides = array<i32>} : memref<79x2x128xi32, #tpu.memory_space<vmem>>, vector<16xi32>,
      %get3A_116 = arith.constant 1 : i32
      %get3A_117 = arith.index_cast %scan3A_81 : i32 to index
      %get3A_118 = arith.index_cast %get3A_116 : i32 to index
      %get3A_119 = arith.constant 48 : index
      %get3A_120 = tpu.vector_load %arg4[%get3A_117, %get3A_118, %get3A_119] {strides = array<i32>} : memref<79x2x128xi32, #tpu.memory_space<vmem>>, vector<16xi32>,
      tpu.vector_store_idx %arg5[%get3A_115], %get3A_120 : memref<10240xi32, #tpu.memory_space<vmem>>[vector<16xi32>], vector<16xi32>,
      %get3A_121 = arith.constant 0 : i32
      %get3A_122 = arith.index_cast %scan3A_81 : i32 to index
      %get3A_123 = arith.index_cast %get3A_121 : i32 to index
      %get3A_124 = arith.constant 64 : index
      %get3A_125 = tpu.vector_load %arg4[%get3A_122, %get3A_123, %get3A_124] {strides = array<i32>} : memref<79x2x128xi32, #tpu.memory_space<vmem>>, vector<16xi32>,
      %get3A_126 = arith.constant 1 : i32
      %get3A_127 = arith.index_cast %scan3A_81 : i32 to index
      %get3A_128 = arith.index_cast %get3A_126 : i32 to index
      %get3A_129 = arith.constant 64 : index
      %get3A_130 = tpu.vector_load %arg4[%get3A_127, %get3A_128, %get3A_129] {strides = array<i32>} : memref<79x2x128xi32, #tpu.memory_space<vmem>>, vector<16xi32>,
      tpu.vector_store_idx %arg5[%get3A_125], %get3A_130 : memref<10240xi32, #tpu.memory_space<vmem>>[vector<16xi32>], vector<16xi32>,
      %get3A_131 = arith.constant 0 : i32
      %get3A_132 = arith.index_cast %scan3A_81 : i32 to index
      %get3A_133 = arith.index_cast %get3A_131 : i32 to index
      %get3A_134 = arith.constant 80 : index
      %get3A_135 = tpu.vector_load %arg4[%get3A_132, %get3A_133, %get3A_134] {strides = array<i32>} : memref<79x2x128xi32, #tpu.memory_space<vmem>>, vector<16xi32>,
      %get3A_136 = arith.constant 1 : i32
      %get3A_137 = arith.index_cast %scan3A_81 : i32 to index
      %get3A_138 = arith.index_cast %get3A_136 : i32 to index
      %get3A_139 = arith.constant 80 : index
      %get3A_140 = tpu.vector_load %arg4[%get3A_137, %get3A_138, %get3A_139] {strides = array<i32>} : memref<79x2x128xi32, #tpu.memory_space<vmem>>, vector<16xi32>,
      tpu.vector_store_idx %arg5[%get3A_135], %get3A_140 : memref<10240xi32, #tpu.memory_space<vmem>>[vector<16xi32>], vector<16xi32>,
      %get3A_141 = arith.constant 0 : i32
      %get3A_142 = arith.index_cast %scan3A_81 : i32 to index
      %get3A_143 = arith.index_cast %get3A_141 : i32 to index
      %get3A_144 = arith.constant 96 : index
      %get3A_145 = tpu.vector_load %arg4[%get3A_142, %get3A_143, %get3A_144] {strides = array<i32>} : memref<79x2x128xi32, #tpu.memory_space<vmem>>, vector<16xi32>,
      %get3A_146 = arith.constant 1 : i32
      %get3A_147 = arith.index_cast %scan3A_81 : i32 to index
      %get3A_148 = arith.index_cast %get3A_146 : i32 to index
      %get3A_149 = arith.constant 96 : index
      %get3A_150 = tpu.vector_load %arg4[%get3A_147, %get3A_148, %get3A_149] {strides = array<i32>} : memref<79x2x128xi32, #tpu.memory_space<vmem>>, vector<16xi32>,
      tpu.vector_store_idx %arg5[%get3A_145], %get3A_150 : memref<10240xi32, #tpu.memory_space<vmem>>[vector<16xi32>], vector<16xi32>,
      %get3A_151 = arith.constant 0 : i32
      %get3A_152 = arith.index_cast %scan3A_81 : i32 to index
      %get3A_153 = arith.index_cast %get3A_151 : i32 to index
      %get3A_154 = arith.constant 112 : index
      %get3A_155 = tpu.vector_load %arg4[%get3A_152, %get3A_153, %get3A_154] {strides = array<i32>} : memref<79x2x128xi32, #tpu.memory_space<vmem>>, vector<16xi32>,
      %get3A_156 = arith.constant 1 : i32
      %get3A_157 = arith.index_cast %scan3A_81 : i32 to index
      %get3A_158 = arith.index_cast %get3A_156 : i32 to index
      %get3A_159 = arith.constant 112 : index
      %get3A_160 = tpu.vector_load %arg4[%get3A_157, %get3A_158, %get3A_159] {strides = array<i32>} : memref<79x2x128xi32, #tpu.memory_space<vmem>>, vector<16xi32>,
      tpu.vector_store_idx %arg5[%get3A_155], %get3A_160 : memref<10240xi32, #tpu.memory_space<vmem>>[vector<16xi32>], vector<16xi32>,
    }
    %scan3A_80 = arith.constant 40 : i32
    "tpu.region"() ({
      %run_scoped3A = tpu.sem_alloc : memref<!tpu.dma_semaphore, #tpu.memory_space<semaphore_mem>>
      %dma_start3A_81 = arith.constant 0 : i32
      %dma_start3A_82 = tpu.memref_slice %arg3[%add3A, %dma_start3A_81] : memref<32x10240xi32, #tpu.memory_space<hbm>> -> memref<1x10240xi32, #tpu.memory_space<hbm>>
      %dma_start3A_83 = tpu.memref_squeeze %dma_start3A_82 : memref<1x10240xi32, #tpu.memory_space<hbm>> -> memref<10240xi32, #tpu.memory_space<hbm>>
      %dma_start3A_84 = arith.constant 0 : i32
      %dma_start3A_85 = tpu.memref_slice %arg3[%add3A, %dma_start3A_84] : memref<32x10240xi32, #tpu.memory_space<hbm>> -> memref<1x10240xi32, #tpu.memory_space<hbm>>
      %dma_start3A_86 = tpu.memref_squeeze %dma_start3A_85 : memref<1x10240xi32, #tpu.memory_space<hbm>> -> memref<10240xi32, #tpu.memory_space<hbm>>
      tpu.enqueue_dma source(%arg5 : memref<10240xi32, #tpu.memory_space<vmem>>) target(%dma_start3A_86 : memref<10240xi32, #tpu.memory_space<hbm>>) target_semaphore(%run_scoped3A : memref<!tpu.dma_semaphore, #tpu.memory_space<semaphore_mem>>)
      %dma_wait3A_87 = arith.constant 0 : i32
      %dma_wait3A_88 = tpu.memref_slice %arg3[%add3A, %dma_wait3A_87] : memref<32x10240xi32, #tpu.memory_space<hbm>> -> memref<1x10240xi32, #tpu.memory_space<hbm>>
      %dma_wait3A_89 = tpu.memref_squeeze %dma_wait3A_88 : memref<1x10240xi32, #tpu.memory_space<hbm>> -> memref<10240xi32, #tpu.memory_space<hbm>>
      %dma_wait3A_90 = arith.constant 0 : i32
      %dma_wait3A_91 = tpu.memref_slice %arg3[%add3A, %dma_wait3A_90] : memref<32x10240xi32, #tpu.memory_space<hbm>> -> memref<1x10240xi32, #tpu.memory_space<hbm>>
      %dma_wait3A_92 = tpu.memref_squeeze %dma_wait3A_91 : memref<1x10240xi32, #tpu.memory_space<hbm>> -> memref<10240xi32, #tpu.memory_space<hbm>>
      tpu.wait_dma2 semaphore(%run_scoped3A : memref<!tpu.dma_semaphore, #tpu.memory_space<semaphore_mem>>) src(%arg5 : memref<10240xi32, #tpu.memory_space<vmem>>) dst(%dma_wait3A_92 : memref<10240xi32, #tpu.memory_space<hbm>>)
      tpu.yield
    }) : () -> ()
    return
  }
}

module attributes {stable_mosaic.version = 14 : i64} {
  func.func @_mm2_body(%arg0: i32, %arg1: memref<5000x128xf32, #tpu.memory_space<vmem>>, %arg2: memref<5000x128xf32, #tpu.memory_space<vmem>>, %arg3: memref<128x256xf32, #tpu.memory_space<vmem>>, %arg4: memref<5000x128xf32, #tpu.memory_space<vmem>>) attributes {dimension_semantics = [#tpu.dimension_semantics<arbitrary>], iteration_bounds = array<i64: 2>, scalar_prefetch = 0 : i64, scratch_operands = 0 : i64, tpu.core_type = #tpu.core_type<tc>, window_params = [{transform_indices = @transform_0, window_bounds = array<i64: 5000, 128>}, {transform_indices = @transform_1, window_bounds = array<i64: 5000, 128>}, {pipeline_mode = #tpu.pipeline_mode<synchronous>, transform_indices = @transform_2, window_bounds = array<i64: 128, 256>}, {transform_indices = @transform_3, window_bounds = array<i64: 5000, 128>}]} {
    %get3A = arith.constant 0 : index
    %get3A_0 = arith.constant 0 : index
    %get3A_1 = vector.load %arg1[%get3A, %get3A_0] : memref<5000x128xf32, #tpu.memory_space<vmem>>, vector<5000x128xf32>
    %get3A_2 = arith.constant 0 : index
    %get3A_3 = arith.constant 0 : index
    %get3A_4 = vector.load %arg2[%get3A_2, %get3A_3] : memref<5000x128xf32, #tpu.memory_space<vmem>>, vector<5000x128xf32>
    %get3A_5 = arith.constant 0 : index
    %get3A_6 = arith.constant 128 : index
    %get3A_7 = vector.load %arg3[%get3A_5, %get3A_6] : memref<128x256xf32, #tpu.memory_space<vmem>>, vector<128x128xf32>
    %dot_general3A = arith.constant dense<0.000000e+00> : vector<5000x128xf32>
    %dot_general3A_8 = tpu.matmul %get3A_4, %get3A_7, %dot_general3A {dimension_numbers = #tpu.dot_dimension_numbers<[1], [1], [0], [0], [0, 0, 1, 0], [], []>, transpose_lhs_hint = false} : vector<5000x128xf32>, vector<128x128xf32>, vector<5000x128xf32> -> vector<5000x128xf32>
    %add3A = arith.addf %get3A_1, %dot_general3A_8 : vector<5000x128xf32>
    %swap3A = arith.constant 0 : index
    %swap3A_9 = arith.constant 0 : index
    %swap3A_10 = vector.load %arg4[%swap3A, %swap3A_9] : memref<5000x128xf32, #tpu.memory_space<vmem>>, vector<5000x128xf32>
    tpu.vector_store %arg4[%swap3A, %swap3A_9], %add3A {strides = array<i32>} : memref<5000x128xf32, #tpu.memory_space<vmem>>, vector<5000x128xf32>,
    return
  }
  func.func @transform_0(%arg0: i32) -> (i32, i32) {
    %c0_i32 = arith.constant 0 : i32
    %c0_i32_0 = arith.constant 0 : i32
    return %arg0, %c0_i32 : i32, i32
  }
  func.func @transform_1(%arg0: i32) -> (i32, i32) {
    %c0_i32 = arith.constant 0 : i32
    %c0_i32_0 = arith.constant 0 : i32
    return %arg0, %c0_i32 : i32, i32
  }
  func.func @transform_2(%arg0: i32) -> (i32, i32) {
    %c0_i32 = arith.constant 0 : i32
    %c0_i32_0 = arith.constant 0 : i32
    %c0_i32_1 = arith.constant 0 : i32
    return %c0_i32, %c0_i32_0 : i32, i32
  }
  func.func @transform_3(%arg0: i32) -> (i32, i32) {
    %c0_i32 = arith.constant 0 : i32
    %c0_i32_0 = arith.constant 0 : i32
    return %arg0, %c0_i32 : i32, i32
  }
}

module attributes {stable_mosaic.version = 14 : i64} {
  func.func @_mm1_body(%arg0: i32, %arg1: memref<5000x128xf32, #tpu.memory_space<vmem>>, %arg2: memref<128x256xf32, #tpu.memory_space<vmem>>, %arg3: memref<1x128xf32, #tpu.memory_space<vmem>>, %arg4: memref<5000x128xf32, #tpu.memory_space<vmem>>) attributes {dimension_semantics = [#tpu.dimension_semantics<arbitrary>], iteration_bounds = array<i64: 2>, scalar_prefetch = 0 : i64, scratch_operands = 0 : i64, tpu.core_type = #tpu.core_type<tc>, window_params = [{transform_indices = @transform_0, window_bounds = array<i64: 5000, 128>}, {pipeline_mode = #tpu.pipeline_mode<synchronous>, transform_indices = @transform_1, window_bounds = array<i64: 128, 256>}, {pipeline_mode = #tpu.pipeline_mode<synchronous>, transform_indices = @transform_2, window_bounds = array<i64: 1, 128>}, {transform_indices = @transform_3, window_bounds = array<i64: 5000, 128>}]} {
    %get3A = arith.constant 0 : index
    %get3A_0 = arith.constant 0 : index
    %get3A_1 = vector.load %arg1[%get3A, %get3A_0] : memref<5000x128xf32, #tpu.memory_space<vmem>>, vector<5000x128xf32>
    %get3A_2 = arith.constant 0 : index
    %get3A_3 = arith.constant 0 : index
    %get3A_4 = vector.load %arg2[%get3A_2, %get3A_3] : memref<128x256xf32, #tpu.memory_space<vmem>>, vector<128x128xf32>
    %dot_general3A = arith.constant dense<0.000000e+00> : vector<5000x128xf32>
    %dot_general3A_5 = tpu.matmul %get3A_1, %get3A_4, %dot_general3A {dimension_numbers = #tpu.dot_dimension_numbers<[1], [1], [0], [0], [0, 0, 1, 0], [], []>, transpose_lhs_hint = false} : vector<5000x128xf32>, vector<128x128xf32>, vector<5000x128xf32> -> vector<5000x128xf32>
    %get3A_6 = arith.constant 0 : index
    %get3A_7 = arith.constant 0 : index
    %get3A_8 = vector.load %arg3[%get3A_6, %get3A_7] : memref<1x128xf32, #tpu.memory_space<vmem>>, vector<1x128xf32>
    %add3A = vector.broadcast %get3A_8 : vector<1x128xf32> to vector<5000x128xf32>
    %add3A_9 = arith.addf %dot_general3A_5, %add3A : vector<5000x128xf32>
    %swap3A = arith.constant 0 : index
    %swap3A_10 = arith.constant 0 : index
    %swap3A_11 = vector.load %arg4[%swap3A, %swap3A_10] : memref<5000x128xf32, #tpu.memory_space<vmem>>, vector<5000x128xf32>
    tpu.vector_store %arg4[%swap3A, %swap3A_10], %add3A_9 {strides = array<i32>} : memref<5000x128xf32, #tpu.memory_space<vmem>>, vector<5000x128xf32>,
    return
  }
  func.func @transform_0(%arg0: i32) -> (i32, i32) {
    %c0_i32 = arith.constant 0 : i32
    %c0_i32_0 = arith.constant 0 : i32
    return %arg0, %c0_i32 : i32, i32
  }
  func.func @transform_1(%arg0: i32) -> (i32, i32) {
    %c0_i32 = arith.constant 0 : i32
    %c0_i32_0 = arith.constant 0 : i32
    %c0_i32_1 = arith.constant 0 : i32
    return %c0_i32, %c0_i32_0 : i32, i32
  }
  func.func @transform_2(%arg0: i32) -> (i32, i32) {
    %c0_i32 = arith.constant 0 : i32
    %c0_i32_0 = arith.constant 0 : i32
    %c0_i32_1 = arith.constant 0 : i32
    return %c0_i32, %c0_i32_0 : i32, i32
  }
  func.func @transform_3(%arg0: i32) -> (i32, i32) {
    %c0_i32 = arith.constant 0 : i32
    %c0_i32_0 = arith.constant 0 : i32
    return %arg0, %c0_i32 : i32, i32
  }
}

</mosaic_0001>

<sc_bundles>
// kernel: kernel.6.cloned.1.call-start
scs
__scs_entry_jumppad:
0x0: {  	(pc) =	sbr.rel $0x88, $3  }
0x1: {  	(tag) =	ssettag $0x0;
	lr =	simm.s32 $0x1  }
0x2: {  	[smem:$0x3F9D] =	sst lr;
	_ =	strace $0xD0000000  }
0x3: {  	_ = 	snop  }
0x4: {  	_ = 	snop  }
0x5: {  	_ = 	snop  }
0x6: {  	_ = 	snop  }
0x7: {  	_ = 	snop  }
__scs_overlays_trampoline_lowered:
0x8: {  	[smem:$0x3FAC] =	sst s0  }
0x9: {  	[smem:$0x3FAD] =	sst s1  }
0xa: {  	[smem:$0x3FAE] =	sst s2  }
0xb: {  	[smem:$0x3FAF] =	sst s3  }
0xc: {  	[smem:$0x3FB0] =	sst s4  }
0xd: {  	[smem:$0x3FB1] =	sst s5  }
0xe: {  	[smem:$0x3FB2] =	sst s6  }
0xf: {  	[smem:$0x3FB3] =	sst s7  }
0x10: {  	[smem:$0x3FB4] =	sst s8  }
0x11: {  	[smem:$0x3FB5] =	sst s9;
	s0 =	simm.s32 @!p0 $0x0  }
0x12: {  	s1 =	sld [smem:$0x3F9B];
	s0 =	simm.s32 @p0 $0x1  }
0x13: {  	[smem:$0x3FB6] =	sst s0;
	s0 =	simm.s32 @!p1 $0x0  }
0x14: {  	s2 =	sld [smem:$0x3F9A];
	s0 =	simm.s32 @p1 $0x1  }
0x15: {  	[smem:$0x3FB7] =	sst s0;
	s0 =	simm.s32 @!p2 $0x0  }
0x16: {  	s3 =	sld [smem:$0x3FDB];
	s0 =	simm.s32 @p2 $0x1  }
0x17: {  	s4 =	simm.s32 $0x1BF5;
	[smem:$0x3FB9] =	sst s0  }
0x18: {  	s0 =	sld [smem:$0x3F9C];
	_ =	swait.ge [sflag:s4], $0x0  }
0x19: {  	s7 =	sld [smem:$0x3F9D]  }
0x1a: {  	s8 =	sadd.s32 $0xFFFFE003, lr  }
0x1b: {  	s9 =	sadd.s32 $0xFFFFFEF7, lr;
	s5 =	simm.s32 $0xFFFFFFFF;
	p2 =	slt.u32 s8, $0xFFFFF086  }
0x1c: {  	p1 =	slt.u32 s9, $0xF7A;
	s5 =	simm.s32 @!p2 $0x0  }
0x1d: {  	s5 =	simm.s32 @p1 $0x1;
	p0 =	seq.s32 s7, s2  }
0x1e: {  	s7 =	smul.u32 @!p0 $0xF7A, s2;
	p2 =	seq.s32 @!p0 s5, $0x0  }
0x1f: {  	s9 =	smul.u32 $0xF7A, s1;
	s8 =	simm.s32 @!p0 $0x1BF5;
	p2 =	por !p2, p0  }
0x20: {  	[sflag:s8] =	ssyncset.s32 @!p0 $0xFFFFF086;
	s6 =	sadd.s32 @!p0 s3, s7;
	s7 =	simm.s32 @!p0 $0x108  }
0x21: {  	s3 =	sadd.s32 s3, s9;
	s6 =	sadd.s32 @!p0 $0x88, s6;
	s7 =	simm.s32 @p2 $0x1082  }
0x22: {  	[simem:s7], [sflag:s8] =	dma.local @!p0 [hbm:s6], $0xF7A  }
0x23: {  	s9 =	sor.u32 $0xD0000000, s2;
	s6 =	simm.s32 $0x108;
	_ =	swait.ge @!p0 [sflag:s8], $0x0  }
0x24: {  	s3 =	sadd.s32 $0x88, s3;
	s6 =	simm.s32 @!p1 $0x1082;
	[sflag:s4] =	ssyncset.s32 $0xFFFFF086  }
0x25: {  	[simem:s6], [sflag:s4] =	dma.local [hbm:s3], $0xF7A  }
0x26: {  	[smem:$0x3F9D] =	sst s1;
	(tag) =	ssettag s2;
	_ =	strace s9  }
0x27: {  	s1 =	sld [smem:$0x3FAD]  }
0x28: {  	s2 =	sld [smem:$0x3FAE]  }
0x29: {  	s4 =	sld [smem:$0x3FB0]  }
0x2a: {  	p0 =	seq.s32 s5, $0x0;
	s5 =	sld [smem:$0x3FB1]  }
0x2b: {  	s6 =	sld [smem:$0x3FB2]  }
0x2c: {  	s7 =	sld [smem:$0x3FB3]  }
0x2d: {  	s3 =	simm.s32 $0x108;
	s8 =	sld [smem:$0x3FB4]  }
0x2e: {  	s3 =	simm.s32 @!p0 $0x1082;
	s9 =	sld [smem:$0x3FB5]  }
0x2f: {  	lr =	sadd.s32 s0, s3;
	s0 =	sld [smem:$0x3FAC]  }
0x30: {  	s3 =	sld [smem:$0x3FAF]  }
0x31: {  	[smem:$0x3FB8] =	sst s10  }
0x32: {  	s10 =	sld [smem:$0x3FB6];
	_ =	sdelay $0x3  }
0x33: {  	p0 =	seq.s32 s10, $0x1;
	s10 =	sld [smem:$0x3FB8];
	_ =	sdelay $0x3  }
0x34: {  	[smem:$0x3FB8] =	sst s10  }
0x35: {  	s10 =	sld [smem:$0x3FB7];
	_ =	sdelay $0x3  }
0x36: {  	p1 =	seq.s32 s10, $0x1;
	s10 =	sld [smem:$0x3FB8];
	_ =	sdelay $0x3  }
0x37: {  	[smem:$0x3FB8] =	sst s10  }
0x38: {  	s10 =	sld [smem:$0x3FB9]  }
0x39: {  	_ = 	snop;
	(pc) =	sbr.ind lr, $3  }
0x3a: {  	_ = 	snop  }
0x3b: {  	_ = 	snop  }
0x3c: {  	p2 =	seq.s32 s10, $0x1;
	s10 =	sld [smem:$0x3FB8]  }
0x3d: {  	_ =	shalt  }
0x3e: {  	_ =	shalt  }
0x3f: {  	_ =	shalt  }
0x40: {  	_ =	shalt  }
0x41: {  	_ =	shalt  }
0x42: {  	_ =	shalt  }
0x43: {  	_ =	shalt  }
0x44: {  	_ =	shalt  }
0x45: {  	_ =	shalt  }
0x46: {  	_ =	shalt  }
0x47: {  	_ =	shalt  }
0x48: {  	_ =	shalt  }
0x49: {  	_ =	shalt  }
0x4a: {  	_ =	shalt  }
0x4b: {  	_ =	shalt  }
0x4c: {  	_ =	shalt  }
0x4d: {  	_ =	shalt  }
0x4e: {  	_ =	shalt  }
0x4f: {  	_ =	shalt  }
0x50: {  	_ =	shalt  }
0x51: {  	_ =	shalt  }
0x52: {  	_ =	shalt  }
0x53: {  	_ =	shalt  }
0x54: {  	_ =	shalt  }
0x55: {  	_ =	shalt  }
0x56: {  	_ =	shalt  }
0x57: {  	_ =	shalt  }
0x58: {  	_ =	shalt  }
0x59: {  	_ =	shalt  }
0x5a: {  	_ =	shalt  }
0x5b: {  	_ =	shalt  }
0x5c: {  	_ =	shalt  }
0x5d: {  	_ =	shalt  }
0x5e: {  	_ =	shalt  }
0x5f: {  	_ =	shalt  }
0x60: {  	_ =	shalt  }
0x61: {  	_ =	shalt  }
0x62: {  	_ =	shalt  }
0x63: {  	_ =	shalt  }
0x64: {  	_ =	shalt  }
0x65: {  	_ =	shalt  }
0x66: {  	_ =	shalt  }
0x67: {  	_ =	shalt  }
0x68: {  	_ =	shalt  }
0x69: {  	_ =	shalt  }
0x6a: {  	_ =	shalt  }
0x6b: {  	_ =	shalt  }
0x6c: {  	_ =	shalt  }
0x6d: {  	_ =	shalt  }
0x6e: {  	_ =	shalt  }
0x6f: {  	_ =	shalt  }
0x70: {  	_ =	shalt  }
0x71: {  	_ =	shalt  }
0x72: {  	_ =	shalt  }
0x73: {  	_ =	shalt  }
0x74: {  	_ =	shalt  }
0x75: {  	_ =	shalt  }
0x76: {  	_ =	shalt  }
0x77: {  	_ =	shalt  }
0x78: {  	_ =	shalt  }
0x79: {  	_ =	shalt  }
0x7a: {  	_ =	shalt  }
0x7b: {  	_ =	shalt  }
0x7c: {  	_ =	shalt  }
0x7d: {  	_ =	shalt  }
0x7e: {  	_ =	shalt  }
0x7f: {  	_ =	shalt  }
0x80: {  	_ =	shalt  }
0x81: {  	_ =	shalt  }
0x82: {  	_ =	shalt  }
0x83: {  	_ =	shalt  }
0x84: {  	_ =	shalt  }
0x85: {  	_ =	shalt  }
0x86: {  	_ =	shalt  }
0x87: {  	_ =	shalt  }
.Lfunc_end0:
.L_simem_size_0:
called_computation_lowered:
.L_overlay_start_0:
0x88: {  	s2 =	sld [smem:$0x3FD9]  }
0x89: {  	s3 =	sld [smem:$0x3FFE];
	_ =	sdelay $0x1  }
0x8a: {  	s1 =	srdreg.scid  }
0x8b: {  	s0 =	sand.u32 $0x1, s1  }
0x8c: {  	s18 =	sshll.u32 s0, $0xA;
	s2 =	sadd.s32 s3, s2  }
0x8d: {  	s2 =	sadd.s32 s2, s18  }
0x8e: {  	[smem:$0x3FC4] =	sst s2  }
0x8f: {  	_ = 	snop  }
0x90: {  	s2 =	sld [smem:$0x3FC8]  }
0x91: {  	s19 =	sld [smem:$0x3FD0];
	(tm) =	ssettm $0x1  }
0x92: {  	s4 =	sld [smem:$0x3FFB];
	_ =	sdelay $0x3  }
0x93: {  	_ =	strace s4  }
0x94: {  	s4 =	sld [smem:$0x3FFC];
	_ =	sdelay $0x3  }
0x95: {  	_ =	strace s4  }
0x96: {  	s4 =	sld [smem:$0x3FFD];
	_ =	sdelay $0x3  }
0x97: {  	_ =	strace s4  }
0x98: {  	_ =	strace $0x8FFFFFFF  }
0x99: {  	s20 =	sld [smem:$0x3FDB];
	_ =	sdelay $0x1  }
0x9a: {  	s5 =	simm.s32 $_scs_section_size  }
0x9b: {  	s6 =	simm.s32 $_size__tile_overlayer_lowered;
	s7 =	simm.s32 $_tile_overlayer_lowered  }
0x9c: {  	s23 =	simm.s32 $0x1BFF;
	s22 =	sshll.u32 s7, $0x1;
	s4 =	sadd.s32 s5, s20  }
0x9d: {  	s8 =	simm.s32 $0x0;
	s21 =	sshll.u32 s6, $0x1;
	s6 =	sadd.s32 s22, s4  }
0x9e: {  	[timem:s8], [sflag:s23] =	dma.local [hbm:s6], s21  }
0x9f: {  	_ =	swait.ge [sflag:s23], s21  }
0xa0: {  	s5 =	ssub.s32 $0x0, s21;
	[sflag:s23] =	ssyncset.done $0x0  }
0xa1: {  	[sflag:s23] =	ssyncadd.s32 s5;
	_ =	sdelay $0x1  }
0xa2: {  	s24 =	simm.s32 $0x1B8B  }
0xa3: {  	_ =	swait.ge [sflag:s24], $0x1  }
0xa4: {  	[sflag:s24] =	ssyncset.done $0x0  }
0xa5: {  	s25 =	simm.s32 $0x1B8E;
	[sflag:s24] =	ssyncadd.s32 $0xFFFFFFFF  }
0xa6: {  	s26 =	simm.s32 $execute0_lowered;
	[smem:$0x3FD2] =	sst s25  }
0xa7: {  	s5 =	sshll.u32 s26, $0x1;
	_ =	strace $0x80000046;
	[dreg:$0x1] =	wrdreg $0xFFFFFFFF  }
0xa8: {  	s28 =	simm.s32 $_size_execute0_lowered;
	s4 =	sadd.s32 s4, s5;
	[dreg:$0x0] =	wrdreg $0x0  }
0xa9: {  	s5 =	sshll.u32 s28, $0x1;
	[dreg:$0x2] =	wrdreg s4  }
0xaa: {  	[dreg:$0x3] =	wrdreg s5  }
0xab: {  	[dreg:$0x4] =	wrdreg $0xC0  }
0xac: {  	_ =	task [dreg:s8], $0x5FFFF  }
0xad: {  	[dreg:$0x1] =	wrdreg $0xFFFFFFFF  }
0xae: {  	[dreg:$0x0] =	wrdreg $0x60  }
0xaf: {  	[dreg:$0x2] =	wrdreg s2  }
0xb0: {  	[dreg:$0x3] =	wrdreg s19  }
0xb1: {  	[dreg:$0x4] =	wrdreg $0x9  }
0xb2: {  	_ =	task.clear_ibuf [dreg:s8], $0x5FFFF;
	_ =	strace $0x90000046  }
0xb3: {  	s29 =	simm.s32 $0x9;
	_ =	strace $0x80000048  }
0xb4: {  	_ =	swait.ge [sflag:s29], $0x1  }
0xb5: {  	[sflag:s29] =	ssyncadd.s32 $0xFFFFFFFF  }
0xb6: {  	_ =	strace $0x90000048  }
0xb7: {  	_ =	sfence  }
0xb8: {  	s30 =	sld [smem:$0x0];
	_ =	sdelay $0x2  }
0xb9: {  	s31 =	sshll.u32 s1, $0xD;
	s1 =	sshrl.u32 s1, $0x2  }
0xba: {  	s3 =	sand.u32 $0x4000, s31;
	s1 =	sadd.s32 s1, s30  }
0xbb: {  	s0 =	sor.u32 s3, s0;
	s1 =	sshll.u32 s1, $0x11  }
0xbc: {  	s0 =	sor.u32 s1, s0  }
0xbd: {  	s0 =	sadd.s32 $0x8F2B, s0  }
0xbe: {  	[sflag:s0] =	ssyncadd.remote.s32 $0x1  }
0xbf: {  	_ =	sfence.sel $0xFFFF  }
0xc0: {  	[dreg:$0x0] =	wrdreg $0xFFFFFFFF;
	(pc) =	sbr.abs _section_cstart, $3  }
0xc1: {  	[dreg:$0x1] =	wrdreg $0xFFFFFFFF  }
0xc2: {  	_ =	task.clear_ibuf [dreg:s8], $0x2FFFF;
	_ =	strace $0x9FFFFFFF  }
0xc3: {  	(tm) =	ssettm $0x7FFFFFFF  }
tec
execute0_lowered:
.L_overlay_start_1:
0x0: {  	(tag) =	ssettag $0x1  }
0x1: {  	s1 =	srdreg.scid;
	s0 =	stileid.u32  }
0x2: {  	s5 =	rddreg [dreg:$0x0];
	s3 =	sand.u32 $0x1, s1;
	s26 =	sshll.u32 s0, $0x1  }
0x3: {  	s7 =	rddreg [dreg:$0x1];
	s2 =	simm.s32 $0x0;
	s4 =	sor.u32 s3, s26  }
0x4: {  	s9 =	simm.s32 $0x4F00;
	s10 =	simm.s32 $0x2;
	s6 =	smul.u32 $0x4E, s4  }
0x5: {  	s11 =	simm.s32 $0x0;
	s1 =	rddreg [dreg:$0x2];
	s8 =	smin.u32 s4, $0x4  }
0x6: {  	[smem:$0x7FF] =	sst s2;
	s28 =	ssub.s32 $0x2, s3;
	s6 =	sadd.s32 s8, s6  }
0x7: {  	_ =	strace $0x80000047;
	s31 =	sshrl.u32 s28, $0x1;
	s6 =	smin.u32 s6, $0x975  }
0x8: {  	s30 =	smul.u32 $0x500, s4;
	s8 =	ssub.s32 s28, s31;
	s29 =	sshll.u32 s6, $0x5  }
0x9: {  	s6 =	smax.u32 s8, $0x1;
	s8 =	simm.s32 $0x1;
	s3 =	sadd.s32 s5, s29  }
0xa: {  	v0 =	vimm.s32 $0xFFFFFFFF;
	s5 =	sadd.s32 s7, s30;
	s7 =	simm.s32 $0x2700;
	s4 =	sadd.s32 $0x4E0, s3  }
.LBB2_1:
0xb: {  	[tilespmem:s2], [sflag:$0x1] =	stream.linear.gather [hbm4b:s3+s2], $0x2700, $0x38;
	[tilespmem:$0x7700] =	vst v63  }
0xc: {  	s12 =	simm.s32 $0x0;
	s13 =	simm.s32 $0x200  }
0xd: {  	[tilespmem:s7], [sflag:$0x1] =	stream.linear.gather [hbm4b:s4+s2], $0x2800, $0x38;
	[tilespmem:$0x7700] =	vst v63  }
.LBB2_2:
0xe: {  	p0 =	sne.s32 s13, $0x9E00;
	[tilespmem:s12+$0x4F70] =	vst v0  }
0xf: {  	[tilespmem:s12+$0x4F00] =	vst v0  }
0x10: {  	[tilespmem:s12+$0x4F10] =	vst v0  }
.Ltmp0:
0x11: {  	[tilespmem:s12+$0x4F20] =	vst v0;
	(pc) =	sbr.rel @p0 .LBB2_2-.Ltmp0, $4  }
0x12: {  	[tilespmem:s12+$0x4F30] =	vst v0  }
0x13: {  	[tilespmem:s12+$0x4F40] =	vst v0  }
0x14: {  	[tilespmem:s12+$0x4F50] =	vst v0  }
0x15: {  	[tilespmem:s12+$0x4F60] =	vst v0;
	s12 =	sshra.s32 s13, $0x2;
	s13 =	sadd.s32 $0x200, s13  }
0x16: {  	[tilespmem:s12+$0x4F70] =	vst v0  }
0x17: {  	[tilespmem:s12+$0x4F00] =	vst v0  }
0x18: {  	[tilespmem:s12+$0x4F10] =	vst v0  }
0x19: {  	[tilespmem:s12+$0x4F20] =	vst v0  }
0x1a: {  	[tilespmem:s12+$0x4F30] =	vst v0  }
0x1b: {  	[tilespmem:s12+$0x4F40] =	vst v0  }
0x1c: {  	[tilespmem:s12+$0x4F50] =	vst v0  }
0x1d: {  	[tilespmem:s12+$0x4F60] =	vst v0  }
0x1e: {  	_ =	swait.ge [sflag:s8], $0x2700  }
0x1f: {  	[sflag:s8] =	ssyncset.done $0x0  }
0x20: {  	s12 =	simm.s32 $0x0;
	[sflag:s8] =	ssyncadd.s32 $0xFFFFD900  }
.LBB2_4:
0x21: {  	s13 =	sshra.s32 s12, $0x2  }
0x22: {  	v1 =	vld [tilespmem:s13+$0x0];
	_ =	sdelay $0x2  }
0x23: {  	v2 =	vld [tilespmem:s13+$0x80];
	_ =	sdelay $0x4  }
0x24: {  	[tilespmem:v1+s9+$0x0] =	vst.idx.msk $0xffff, v2  }
0x25: {  	v1 =	vld [tilespmem:s13+$0x10];
	_ =	sdelay $0x2  }
0x26: {  	v2 =	vld [tilespmem:s13+$0x90];
	_ =	sdelay $0x4  }
0x27: {  	[tilespmem:v1+s9+$0x0] =	vst.idx.msk $0xffff, v2  }
0x28: {  	v1 =	vld [tilespmem:s13+$0x20];
	_ =	sdelay $0x2  }
0x29: {  	v2 =	vld [tilespmem:s13+$0xA0];
	_ =	sdelay $0x4  }
0x2a: {  	[tilespmem:v1+s9+$0x0] =	vst.idx.msk $0xffff, v2  }
0x2b: {  	v1 =	vld [tilespmem:s13+$0x30];
	_ =	sdelay $0x2  }
0x2c: {  	v2 =	vld [tilespmem:s13+$0xB0];
	_ =	sdelay $0x4  }
0x2d: {  	[tilespmem:v1+s9+$0x0] =	vst.idx.msk $0xffff, v2  }
0x2e: {  	v1 =	vld [tilespmem:s13+$0x40];
	_ =	sdelay $0x2  }
0x2f: {  	v2 =	vld [tilespmem:s13+$0xC0];
	_ =	sdelay $0x4  }
0x30: {  	[tilespmem:v1+s9+$0x0] =	vst.idx.msk $0xffff, v2  }
0x31: {  	v1 =	vld [tilespmem:s13+$0x50];
	_ =	sdelay $0x2  }
0x32: {  	v2 =	vld [tilespmem:s13+$0xD0];
	_ =	sdelay $0x4  }
0x33: {  	[tilespmem:v1+s9+$0x0] =	vst.idx.msk $0xffff, v2  }
0x34: {  	v1 =	vld [tilespmem:s13+$0x60];
	_ =	sdelay $0x2  }
0x35: {  	v2 =	vld [tilespmem:s13+$0xE0];
	_ =	sdelay $0x4  }
0x36: {  	[tilespmem:v1+s9+$0x0] =	vst.idx.msk $0xffff, v2  }
0x37: {  	v1 =	vld [tilespmem:s13+$0x70];
	_ =	sdelay $0x2  }
0x38: {  	p0 =	sne.s32 s12, $0x9800;
	v2 =	vld [tilespmem:s13+$0xF0]  }
.Ltmp1:
0x39: {  	_ = 	snop;
	(pc) =	sbr.rel @p0 .LBB2_4-.Ltmp1, $2  }
0x3a: {  	_ =	sdelay $0x2  }
0x3b: {  	s12 =	sadd.s32 $0x400, s12;
	[tilespmem:v1+s9+$0x0] =	vst.idx.msk $0xffff, v2  }
0x3c: {  	_ =	swait.ge [sflag:s8], $0x2800  }
0x3d: {  	[sflag:s8] =	ssyncset.done $0x0  }
0x3e: {  	s12 =	simm.s32 $0x0;
	[sflag:s8] =	ssyncadd.s32 $0xFFFFD800  }
.LBB2_6:
0x3f: {  	s13 =	sshra.s32 s12, $0x2  }
0x40: {  	v1 =	vld [tilespmem:s13+$0x2700];
	_ =	sdelay $0x2  }
0x41: {  	v2 =	vld [tilespmem:s13+$0x2780];
	_ =	sdelay $0x4  }
0x42: {  	[tilespmem:v1+s9+$0x0] =	vst.idx.msk $0xffff, v2  }
0x43: {  	v1 =	vld [tilespmem:s13+$0x2710];
	_ =	sdelay $0x2  }
0x44: {  	v2 =	vld [tilespmem:s13+$0x2790];
	_ =	sdelay $0x4  }
0x45: {  	[tilespmem:v1+s9+$0x0] =	vst.idx.msk $0xffff, v2  }
0x46: {  	v1 =	vld [tilespmem:s13+$0x2720];
	_ =	sdelay $0x2  }
0x47: {  	v2 =	vld [tilespmem:s13+$0x27A0];
	_ =	sdelay $0x4  }
0x48: {  	[tilespmem:v1+s9+$0x0] =	vst.idx.msk $0xffff, v2  }
0x49: {  	v1 =	vld [tilespmem:s13+$0x2730];
	_ =	sdelay $0x2  }
0x4a: {  	v2 =	vld [tilespmem:s13+$0x27B0];
	_ =	sdelay $0x4  }
0x4b: {  	[tilespmem:v1+s9+$0x0] =	vst.idx.msk $0xffff, v2  }
0x4c: {  	v1 =	vld [tilespmem:s13+$0x2740];
	_ =	sdelay $0x2  }
0x4d: {  	v2 =	vld [tilespmem:s13+$0x27C0];
	_ =	sdelay $0x4  }
0x4e: {  	[tilespmem:v1+s9+$0x0] =	vst.idx.msk $0xffff, v2  }
0x4f: {  	v1 =	vld [tilespmem:s13+$0x2750];
	_ =	sdelay $0x2  }
0x50: {  	v2 =	vld [tilespmem:s13+$0x27D0];
	_ =	sdelay $0x4  }
0x51: {  	[tilespmem:v1+s9+$0x0] =	vst.idx.msk $0xffff, v2  }
0x52: {  	v1 =	vld [tilespmem:s13+$0x2760];
	_ =	sdelay $0x2  }
0x53: {  	v2 =	vld [tilespmem:s13+$0x27E0];
	_ =	sdelay $0x4  }
0x54: {  	[tilespmem:v1+s9+$0x0] =	vst.idx.msk $0xffff, v2  }
0x55: {  	v1 =	vld [tilespmem:s13+$0x2770];
	_ =	sdelay $0x2  }
0x56: {  	p0 =	sne.s32 s12, $0x9C00;
	v2 =	vld [tilespmem:s13+$0x27F0]  }
.Ltmp2:
0x57: {  	_ = 	snop;
	(pc) =	sbr.rel @p0 .LBB2_6-.Ltmp2, $2  }
0x58: {  	_ =	sdelay $0x2  }
0x59: {  	s12 =	sadd.s32 $0x400, s12;
	[tilespmem:v1+s9+$0x0] =	vst.idx.msk $0xffff, v2  }
0x5a: {  	s11 =	sadd.s32 $0x1, s11  }
0x5b: {  	p0 =	sne.s32 s11, s6  }
.Ltmp3:
0x5c: {  	_ = 	snop;
	(pc) =	sbr.rel @p0 .LBB2_1-.Ltmp3, $4  }
0x5d: {  	[hbm4b:s5+s2] =	stream.linear.scatter [tilespmem:s9], [sflag:$0x2], $0x2800, $0x38;
	[tilespmem:$0x7700] =	vst v63  }
0x5e: {  	_ =	swait.ge [sflag:s10], $0x2800  }
0x5f: {  	[sflag:s10] =	ssyncset.done $0x0  }
0x60: {  	[sflag:s10] =	ssyncadd.s32 $0xFFFFD800  }
0x61: {  	_ =	sfence.sel $0x180000  }
0x62: {  	[bflag:$0x0] =	sbarrier.arrive $0xFFFF  }
0x63: {  	p0 =	sne.s32 s0, $0x0;
	_ =	strace $0x90000047  }
0x64: {  	s0 =	sadd.s32 @!p0 $0x100000, s1;
	[bflag:$0x2] =	sbarrier.arrive $0xFFFF  }
0x65: {  	[sflag:s0] =	ssyncadd.tile.s32 @!p0 $0x1;
	_ =	shalt  }
.Lfunc_end2:
_tile_overlayer_lowered:
.L_overlay_start_2:
0x66: {  	(tag) =	ssettag $0x2  }
0x67: {  	s0 =	rddreg [dreg:$0x0];
	s2 =	stileid.u32  }
0x68: {  	s1 =	rddreg [dreg:$0x1];
	p0 =	sne.s32 s2, $0x0  }
0x69: {  	s3 =	rddreg [dreg:$0x2];
	[bflag:$0x3] =	sbarrier.arrive $0xFFFF;
	s2 =	simm.s32 @!p0 $0x1C02  }
0x6a: {  	[timem:s3], [sflag:s2] =	dma.local @!p0 [hbm:s0], s1  }
0x6b: {  	s0 =	simm.s32 @!p0 $0x2  }
0x6c: {  	_ =	swait.ge @!p0 [sflag:s0], s1  }
0x6d: {  	s1 =	ssub.s32 @!p0 $0x0, s1;
	[sflag:s0] =	ssyncset.done @!p0 $0x0  }
0x6e: {  	[sflag:s0] =	ssyncadd.s32 @!p0 s1  }
0x6f: {  	[bflag:$0x3] =	sbarrier.arrive $0xFFFF  }
0x70: {  	_ =	shalt  }

// kernel: kernel.9.cloned.1.call-start
scs
__scs_entry_jumppad:
0x0: {  	(pc) =	sbr.rel $0x88, $3  }
0x1: {  	(tag) =	ssettag $0x0;
	lr =	simm.s32 $0x1  }
0x2: {  	[smem:$0x3F9D] =	sst lr;
	_ =	strace $0xD0000000  }
0x3: {  	_ = 	snop  }
0x4: {  	_ = 	snop  }
0x5: {  	_ = 	snop  }
0x6: {  	_ = 	snop  }
0x7: {  	_ = 	snop  }
__scs_overlays_trampoline_lowered:
0x8: {  	[smem:$0x3FAC] =	sst s0  }
0x9: {  	[smem:$0x3FAD] =	sst s1  }
0xa: {  	[smem:$0x3FAE] =	sst s2  }
0xb: {  	[smem:$0x3FAF] =	sst s3  }
0xc: {  	[smem:$0x3FB0] =	sst s4  }
0xd: {  	[smem:$0x3FB1] =	sst s5  }
0xe: {  	[smem:$0x3FB2] =	sst s6  }
0xf: {  	[smem:$0x3FB3] =	sst s7  }
0x10: {  	[smem:$0x3FB4] =	sst s8  }
0x11: {  	[smem:$0x3FB5] =	sst s9;
	s0 =	simm.s32 @!p0 $0x0  }
0x12: {  	s1 =	sld [smem:$0x3F9B];
	s0 =	simm.s32 @p0 $0x1  }
0x13: {  	[smem:$0x3FB6] =	sst s0;
	s0 =	simm.s32 @!p1 $0x0  }
0x14: {  	s2 =	sld [smem:$0x3F9A];
	s0 =	simm.s32 @p1 $0x1  }
0x15: {  	[smem:$0x3FB7] =	sst s0;
	s0 =	simm.s32 @!p2 $0x0  }
0x16: {  	s3 =	sld [smem:$0x3FDB];
	s0 =	simm.s32 @p2 $0x1  }
0x17: {  	s4 =	simm.s32 $0x1BF5;
	[smem:$0x3FB9] =	sst s0  }
0x18: {  	s0 =	sld [smem:$0x3F9C];
	_ =	swait.ge [sflag:s4], $0x0  }
0x19: {  	s7 =	sld [smem:$0x3F9D]  }
0x1a: {  	s8 =	sadd.s32 $0xFFFFE003, lr  }
0x1b: {  	s9 =	sadd.s32 $0xFFFFFEF7, lr;
	s5 =	simm.s32 $0xFFFFFFFF;
	p2 =	slt.u32 s8, $0xFFFFF086  }
0x1c: {  	p1 =	slt.u32 s9, $0xF7A;
	s5 =	simm.s32 @!p2 $0x0  }
0x1d: {  	s5 =	simm.s32 @p1 $0x1;
	p0 =	seq.s32 s7, s2  }
0x1e: {  	s7 =	smul.u32 @!p0 $0xF7A, s2;
	p2 =	seq.s32 @!p0 s5, $0x0  }
0x1f: {  	s9 =	smul.u32 $0xF7A, s1;
	s8 =	simm.s32 @!p0 $0x1BF5;
	p2 =	por !p2, p0  }
0x20: {  	[sflag:s8] =	ssyncset.s32 @!p0 $0xFFFFF086;
	s6 =	sadd.s32 @!p0 s3, s7;
	s7 =	simm.s32 @!p0 $0x108  }
0x21: {  	s3 =	sadd.s32 s3, s9;
	s6 =	sadd.s32 @!p0 $0x88, s6;
	s7 =	simm.s32 @p2 $0x1082  }
0x22: {  	[simem:s7], [sflag:s8] =	dma.local @!p0 [hbm:s6], $0xF7A  }
0x23: {  	s9 =	sor.u32 $0xD0000000, s2;
	s6 =	simm.s32 $0x108;
	_ =	swait.ge @!p0 [sflag:s8], $0x0  }
0x24: {  	s3 =	sadd.s32 $0x88, s3;
	s6 =	simm.s32 @!p1 $0x1082;
	[sflag:s4] =	ssyncset.s32 $0xFFFFF086  }
0x25: {  	[simem:s6], [sflag:s4] =	dma.local [hbm:s3], $0xF7A  }
0x26: {  	[smem:$0x3F9D] =	sst s1;
	(tag) =	ssettag s2;
	_ =	strace s9  }
0x27: {  	s1 =	sld [smem:$0x3FAD]  }
0x28: {  	s2 =	sld [smem:$0x3FAE]  }
0x29: {  	s4 =	sld [smem:$0x3FB0]  }
0x2a: {  	p0 =	seq.s32 s5, $0x0;
	s5 =	sld [smem:$0x3FB1]  }
0x2b: {  	s6 =	sld [smem:$0x3FB2]  }
0x2c: {  	s7 =	sld [smem:$0x3FB3]  }
0x2d: {  	s3 =	simm.s32 $0x108;
	s8 =	sld [smem:$0x3FB4]  }
0x2e: {  	s3 =	simm.s32 @!p0 $0x1082;
	s9 =	sld [smem:$0x3FB5]  }
0x2f: {  	lr =	sadd.s32 s0, s3;
	s0 =	sld [smem:$0x3FAC]  }
0x30: {  	s3 =	sld [smem:$0x3FAF]  }
0x31: {  	[smem:$0x3FB8] =	sst s10  }
0x32: {  	s10 =	sld [smem:$0x3FB6];
	_ =	sdelay $0x3  }
0x33: {  	p0 =	seq.s32 s10, $0x1;
	s10 =	sld [smem:$0x3FB8];
	_ =	sdelay $0x3  }
0x34: {  	[smem:$0x3FB8] =	sst s10  }
0x35: {  	s10 =	sld [smem:$0x3FB7];
	_ =	sdelay $0x3  }
0x36: {  	p1 =	seq.s32 s10, $0x1;
	s10 =	sld [smem:$0x3FB8];
	_ =	sdelay $0x3  }
0x37: {  	[smem:$0x3FB8] =	sst s10  }
0x38: {  	s10 =	sld [smem:$0x3FB9]  }
0x39: {  	_ = 	snop;
	(pc) =	sbr.ind lr, $3  }
0x3a: {  	_ = 	snop  }
0x3b: {  	_ = 	snop  }
0x3c: {  	p2 =	seq.s32 s10, $0x1;
	s10 =	sld [smem:$0x3FB8]  }
0x3d: {  	_ =	shalt  }
0x3e: {  	_ =	shalt  }
0x3f: {  	_ =	shalt  }
0x40: {  	_ =	shalt  }
0x41: {  	_ =	shalt  }
0x42: {  	_ =	shalt  }
0x43: {  	_ =	shalt  }
0x44: {  	_ =	shalt  }
0x45: {  	_ =	shalt  }
0x46: {  	_ =	shalt  }
0x47: {  	_ =	shalt  }
0x48: {  	_ =	shalt  }
0x49: {  	_ =	shalt  }
0x4a: {  	_ =	shalt  }
0x4b: {  	_ =	shalt  }
0x4c: {  	_ =	shalt  }
0x4d: {  	_ =	shalt  }
0x4e: {  	_ =	shalt  }
0x4f: {  	_ =	shalt  }
0x50: {  	_ =	shalt  }
0x51: {  	_ =	shalt  }
0x52: {  	_ =	shalt  }
0x53: {  	_ =	shalt  }
0x54: {  	_ =	shalt  }
0x55: {  	_ =	shalt  }
0x56: {  	_ =	shalt  }
0x57: {  	_ =	shalt  }
0x58: {  	_ =	shalt  }
0x59: {  	_ =	shalt  }
0x5a: {  	_ =	shalt  }
0x5b: {  	_ =	shalt  }
0x5c: {  	_ =	shalt  }
0x5d: {  	_ =	shalt  }
0x5e: {  	_ =	shalt  }
0x5f: {  	_ =	shalt  }
0x60: {  	_ =	shalt  }
0x61: {  	_ =	shalt  }
0x62: {  	_ =	shalt  }
0x63: {  	_ =	shalt  }
0x64: {  	_ =	shalt  }
0x65: {  	_ =	shalt  }
0x66: {  	_ =	shalt  }
0x67: {  	_ =	shalt  }
0x68: {  	_ =	shalt  }
0x69: {  	_ =	shalt  }
0x6a: {  	_ =	shalt  }
0x6b: {  	_ =	shalt  }
0x6c: {  	_ =	shalt  }
0x6d: {  	_ =	shalt  }
0x6e: {  	_ =	shalt  }
0x6f: {  	_ =	shalt  }
0x70: {  	_ =	shalt  }
0x71: {  	_ =	shalt  }
0x72: {  	_ =	shalt  }
0x73: {  	_ =	shalt  }
0x74: {  	_ =	shalt  }
0x75: {  	_ =	shalt  }
0x76: {  	_ =	shalt  }
0x77: {  	_ =	shalt  }
0x78: {  	_ =	shalt  }
0x79: {  	_ =	shalt  }
0x7a: {  	_ =	shalt  }
0x7b: {  	_ =	shalt  }
0x7c: {  	_ =	shalt  }
0x7d: {  	_ =	shalt  }
0x7e: {  	_ =	shalt  }
0x7f: {  	_ =	shalt  }
0x80: {  	_ =	shalt  }
0x81: {  	_ =	shalt  }
0x82: {  	_ =	shalt  }
0x83: {  	_ =	shalt  }
0x84: {  	_ =	shalt  }
0x85: {  	_ =	shalt  }
0x86: {  	_ =	shalt  }
0x87: {  	_ =	shalt  }
.Lfunc_end0:
.L_simem_size_0:
called_computation.1_lowered:
.L_overlay_start_0:
0x88: {  	s2 =	sld [smem:$0x3FD9]  }
0x89: {  	s3 =	sld [smem:$0x3FFE];
	_ =	sdelay $0x1  }
0x8a: {  	s1 =	srdreg.scid  }
0x8b: {  	s0 =	sand.u32 $0x1, s1  }
0x8c: {  	s17 =	sshll.u32 s0, $0xA;
	s2 =	sadd.s32 s3, s2  }
0x8d: {  	s2 =	sadd.s32 s2, s17  }
0x8e: {  	[smem:$0x3FC4] =	sst s2  }
0x8f: {  	_ = 	snop  }
0x90: {  	s2 =	sld [smem:$0x3FD0];
	(tm) =	ssettm $0x1  }
0x91: {  	s18 =	sld [smem:$0x3FFB];
	_ =	sdelay $0x3  }
0x92: {  	_ =	strace s18  }
0x93: {  	s3 =	sld [smem:$0x3FFC];
	_ =	sdelay $0x3  }
0x94: {  	_ =	strace s3  }
0x95: {  	s3 =	sld [smem:$0x3FFD];
	_ =	sdelay $0x3  }
0x96: {  	_ =	strace s3  }
0x97: {  	_ =	strace $0x8FFFFFFF  }
0x98: {  	s19 =	sld [smem:$0x3FDB];
	_ =	sdelay $0x1  }
0x99: {  	s4 =	simm.s32 $_scs_section_size  }
0x9a: {  	s5 =	simm.s32 $_size__tile_overlayer_lowered;
	s6 =	simm.s32 $_tile_overlayer_lowered  }
0x9b: {  	s22 =	simm.s32 $0x1BFF;
	s21 =	sshll.u32 s6, $0x1;
	s3 =	sadd.s32 s4, s19  }
0x9c: {  	s7 =	simm.s32 $0x0;
	s20 =	sshll.u32 s5, $0x1;
	s5 =	sadd.s32 s21, s3  }
0x9d: {  	[timem:s7], [sflag:s22] =	dma.local [hbm:s5], s20  }
0x9e: {  	_ =	swait.ge [sflag:s22], s20  }
0x9f: {  	s4 =	ssub.s32 $0x0, s20;
	[sflag:s22] =	ssyncset.done $0x0  }
0xa0: {  	[sflag:s22] =	ssyncadd.s32 s4;
	_ =	sdelay $0x1  }
0xa1: {  	s23 =	simm.s32 $0x1B8B  }
0xa2: {  	_ =	swait.ge [sflag:s23], $0x1  }
0xa3: {  	[sflag:s23] =	ssyncset.done $0x0  }
0xa4: {  	s25 =	simm.s32 $0x1B8E;
	s24 =	sld [smem:$0x3FFE];
	[sflag:s23] =	ssyncadd.s32 $0xFFFFFFFF  }
0xa5: {  	s26 =	simm.s32 $execute0_lowered;
	[smem:$0x3FD2] =	sst s25  }
0xa6: {  	s5 =	sshll.u32 s26, $0x1;
	_ =	strace $0x80000049;
	[dreg:$0x1] =	wrdreg $0xFFFFFFFF  }
0xa7: {  	s28 =	simm.s32 $_size_execute0_lowered;
	s3 =	sadd.s32 s3, s5;
	[dreg:$0x0] =	wrdreg $0x0  }
0xa8: {  	s5 =	sshll.u32 s28, $0x1;
	[dreg:$0x2] =	wrdreg s3  }
0xa9: {  	[dreg:$0x3] =	wrdreg s5  }
0xaa: {  	[dreg:$0x4] =	wrdreg $0xC0  }
0xab: {  	_ =	task [dreg:s7], $0x5FFFF  }
0xac: {  	[dreg:$0x1] =	wrdreg $0xFFFFFFFF  }
0xad: {  	[dreg:$0x0] =	wrdreg $0x60  }
0xae: {  	[dreg:$0x2] =	wrdreg s2  }
0xaf: {  	[dreg:$0x3] =	wrdreg s24  }
0xb0: {  	[dreg:$0x4] =	wrdreg $0x9  }
0xb1: {  	_ =	task.clear_ibuf [dreg:s7], $0x5FFFF;
	_ =	strace $0x90000049  }
0xb2: {  	s29 =	simm.s32 $0x9;
	_ =	strace $0x8000004B  }
0xb3: {  	_ =	swait.ge [sflag:s29], $0x1  }
0xb4: {  	[sflag:s29] =	ssyncadd.s32 $0xFFFFFFFF  }
0xb5: {  	_ =	strace $0x9000004B  }
0xb6: {  	_ =	sfence  }
0xb7: {  	s30 =	sld [smem:$0x0];
	_ =	sdelay $0x2  }
0xb8: {  	s31 =	sshll.u32 s1, $0xD;
	s1 =	sshrl.u32 s1, $0x2  }
0xb9: {  	s3 =	sand.u32 $0x4000, s31;
	s1 =	sadd.s32 s1, s30  }
0xba: {  	s0 =	sor.u32 s3, s0;
	s1 =	sshll.u32 s1, $0x11  }
0xbb: {  	s0 =	sor.u32 s1, s0  }
0xbc: {  	s0 =	sadd.s32 $0x8F2B, s0  }
0xbd: {  	[sflag:s0] =	ssyncadd.remote.s32 $0x1  }
0xbe: {  	_ =	sfence.sel $0xFFFF  }
0xbf: {  	[dreg:$0x0] =	wrdreg $0xFFFFFFFF;
	(pc) =	sbr.abs _section_cstart, $3  }
0xc0: {  	[dreg:$0x1] =	wrdreg $0xFFFFFFFF  }
0xc1: {  	_ =	task.clear_ibuf [dreg:s7], $0x2FFFF;
	_ =	strace $0x9FFFFFFF  }
0xc2: {  	(tm) =	ssettm $0x7FFFFFFF  }
0xc3: {  	_ =	shalt  }
tec
execute0_lowered:
.L_overlay_start_1:
0x0: {  	(tag) =	ssettag $0x1  }
0x1: {  	s4 =	rddreg [dreg:$0x0];
	s1 =	srdreg.scid  }
0x2: {  	s0 =	stileid.u32;
	s5 =	rddreg [dreg:$0x1]  }
0x3: {  	s2 =	simm.s32 $0x0;
	s13 =	simm.s32 $0x2840;
	s14 =	simm.s32 $0x4940  }
0x4: {  	s15 =	simm.s32 $0x2880;
	s16 =	simm.s32 $0x6940;
	s17 =	simm.s32 $0x28C0  }
0x5: {  	s18 =	simm.s32 $0x8940;
	s19 =	simm.s32 $0x2900;
	s20 =	simm.s32 $0xA940  }
0x6: {  	s21 =	simm.s32 $0x1;
	s22 =	simm.s32 $0x0;
	s6 =	sand.u32 $0x1, s1  }
0x7: {  	s3 =	sshll.u32 s0, $0x1;
	s1 =	rddreg [dreg:$0x2];
	s10 =	smul.u32 $0x280, s0  }
0x8: {  	[smem:$0x7FF] =	sst s2;
	s3 =	sor.u32 s6, s3;
	s12 =	smul.u32 $0x140, s6  }
0x9: {  	_ =	strace $0x8000004A;
	s9 =	ssub.s32 $0x2, s6;
	s7 =	smul.u32 $0x1400, s3  }
0xa: {  	s8 =	smul.u32 $0x140, s3;
	s3 =	sadd.s32 $0x1000, s5;
	s11 =	sshrl.u32 s9, $0x1  }
0xb: {  	s31 =	ssub.s32 s9, s11;
	s9 =	simm.s32 $0x2800;
	s11 =	simm.s32 $0x40  }
0xc: {  	s8 =	sshrl.u32 s8, $0x3;
	s5 =	sadd.s32 s7, s5;
	s6 =	smax.u32 s31, $0x1  }
0xd: {  	s7 =	sadd.s32 s12, s10;
	s10 =	simm.s32 $0x2;
	s12 =	simm.s32 $0x2940  }
0xe: {  	v0 =	vlaneseq.u32;
	s4 =	sadd.s32 s4, s8;
	s5 =	sadd.s32 $0x29200, s5;
	s8 =	simm.s32 $0x140  }
.LBB2_1:
0xf: {  	[tilespmem:s2], [sflag:$0x2] =	stream.strided.gather [hbm4b:s4+s8], $0x2800, s9, s8, $0x38;
	[tilespmem:$0xC940] =	vst v63  }
0x10: {  	_ =	swait.ge [sflag:s10], $0x2800  }
0x11: {  	[sflag:s10] =	ssyncset.done $0x0  }
0x12: {  	s23 =	simm.s32 $0x0;
	[sflag:s10] =	ssyncadd.s32 $0xFFFFD800  }
0x13: {  	v1 =	vld [tilespmem:s23+$0x0]  }
0x14: {  	v2 =	vld [tilespmem:s23+$0x140]  }
0x15: {  	v3 =	vld [tilespmem:s23+$0x280]  }
0x16: {  	v4 =	vor.u32 s7, v0;
	v5 =	vld [tilespmem:s23+$0x3C0]  }
0x17: {  	v4 =	vand.u32 $0xFF, v4;
	v6 =	vld [tilespmem:s23+$0x500]  }
0x18: {  	v4 =	vadd.s32 $0x2710, v4;
	v7 =	vld [tilespmem:s23+$0x640];
	vm0 =	vlt.s32 v1, $0x0  }
0x19: {  	v1 =	vsel vm0, v4, v1;
	vm0 =	vlt.s32 v2, $0x0;
	v4 =	vld [tilespmem:s23+$0x780]  }
0x1a: {  	v1 =	vsel vm0, v1, v2;
	vm0 =	vlt.s32 v3, $0x0;
	v2 =	vld [tilespmem:s23+$0x8C0]  }
0x1b: {  	v1 =	vsel vm0, v1, v3;
	vm0 =	vlt.s32 v5, $0x0;
	v3 =	vld [tilespmem:s23+$0xA00]  }
0x1c: {  	v1 =	vsel vm0, v1, v5;
	vm0 =	vlt.s32 v6, $0x0;
	v5 =	vld [tilespmem:s23+$0xB40]  }
0x1d: {  	v1 =	vsel vm0, v1, v6;
	vm0 =	vlt.s32 v7, $0x0;
	v6 =	vld [tilespmem:s23+$0xC80]  }
0x1e: {  	v1 =	vsel vm0, v1, v7;
	vm0 =	vlt.s32 v4, $0x0;
	v7 =	vld [tilespmem:s23+$0xDC0]  }
0x1f: {  	v1 =	vsel vm0, v1, v4;
	vm0 =	vlt.s32 v2, $0x0;
	v4 =	vld [tilespmem:s23+$0xF00]  }
0x20: {  	v1 =	vsel vm0, v1, v2;
	vm0 =	vlt.s32 v3, $0x0;
	v2 =	vld [tilespmem:s23+$0x1040]  }
0x21: {  	v1 =	vsel vm0, v1, v3;
	vm0 =	vlt.s32 v5, $0x0;
	v3 =	vld [tilespmem:s23+$0x1180]  }
0x22: {  	v1 =	vsel vm0, v1, v5;
	vm0 =	vlt.s32 v6, $0x0;
	v5 =	vld [tilespmem:s23+$0x12C0]  }
0x23: {  	v1 =	vsel vm0, v1, v6;
	vm0 =	vlt.s32 v7, $0x0;
	v6 =	vld [tilespmem:s23+$0x1400]  }
0x24: {  	v1 =	vsel vm0, v1, v7;
	vm0 =	vlt.s32 v4, $0x0;
	v7 =	vld [tilespmem:s23+$0x1540]  }
0x25: {  	v1 =	vsel vm0, v1, v4;
	vm0 =	vlt.s32 v2, $0x0;
	v4 =	vld [tilespmem:s23+$0x1680]  }
0x26: {  	v1 =	vsel vm0, v1, v2;
	vm0 =	vlt.s32 v3, $0x0;
	v2 =	vld [tilespmem:s23+$0x17C0]  }
0x27: {  	v1 =	vsel vm0, v1, v3;
	vm0 =	vlt.s32 v5, $0x0;
	v3 =	vld [tilespmem:s23+$0x1900]  }
0x28: {  	v1 =	vsel vm0, v1, v5;
	vm0 =	vlt.s32 v6, $0x0;
	v5 =	vld [tilespmem:s23+$0x1A40]  }
0x29: {  	v1 =	vsel vm0, v1, v6;
	vm0 =	vlt.s32 v7, $0x0;
	v6 =	vld [tilespmem:s23+$0x1B80]  }
0x2a: {  	v1 =	vsel vm0, v1, v7;
	vm0 =	vlt.s32 v4, $0x0;
	v7 =	vld [tilespmem:s23+$0x1CC0]  }
0x2b: {  	v8 =	vld [tilespmem:s23+$0x1E00];
	v1 =	vsel vm0, v1, v4;
	vm0 =	vlt.s32 v2, $0x0  }
0x2c: {  	v1 =	vsel vm0, v1, v2;
	vm0 =	vlt.s32 v3, $0x0;
	v2 =	vld [tilespmem:s23+$0x1F40]  }
0x2d: {  	v4 =	vld [tilespmem:s23+$0x2080];
	v1 =	vsel vm0, v1, v3;
	vm0 =	vlt.s32 v5, $0x0  }
0x2e: {  	v1 =	vsel vm0, v1, v5;
	vm0 =	vlt.s32 v6, $0x0;
	v5 =	vld [tilespmem:s23+$0x21C0]  }
0x2f: {  	v1 =	vsel vm0, v1, v6;
	vm0 =	vlt.s32 v7, $0x0;
	v6 =	vld [tilespmem:s23+$0x2300]  }
0x30: {  	v3 =	vld [tilespmem:s23+$0x2440];
	v1 =	vsel vm0, v1, v7;
	vm0 =	vlt.s32 v8, $0x0  }
0x31: {  	v7 =	vsel vm0, v1, v8;
	vm0 =	vlt.s32 v2, $0x0;
	v1 =	vld [tilespmem:s23+$0x2580]  }
0x32: {  	s24 =	simm.s32 $0x10;
	s26 =	simm.s32 $0x80;
	s25 =	smov.u32 s7;
	v7 =	vsel vm0, v7, v2;
	vm0 =	vlt.s32 v4, $0x0;
	v2 =	vld [tilespmem:s23+$0x26C0]  }
.LBB2_2:
0x33: {  	p0 =	sne.s32 s26, $0x4C0;
	v8 =	vld [tilespmem:s24+$0x0];
	v4 =	vsel vm0, v7, v4;
	vm0 =	vlt.s32 v5, $0x0  }
0x34: {  	v7 =	vld [tilespmem:s24+$0x140];
	v4 =	vsel vm0, v4, v5;
	vm0 =	vlt.s32 v6, $0x0  }
0x35: {  	s25 =	sadd.s32 $0x10, s25;
	v5 =	vld [tilespmem:s24+$0x280];
	v4 =	vsel vm0, v4, v6;
	vm0 =	vlt.s32 v3, $0x0  }
0x36: {  	v6 =	vor.u32 s25, v0;
	v9 =	vld [tilespmem:s24+$0x3C0];
	v3 =	vsel vm0, v4, v3;
	vm0 =	vlt.s32 v1, $0x0  }
0x37: {  	v4 =	vand.u32 $0xFF, v6;
	v6 =	vld [tilespmem:s24+$0x500];
	v1 =	vsel vm0, v3, v1;
	vm0 =	vlt.s32 v2, $0x0  }
0x38: {  	v3 =	vadd.s32 $0x2710, v4;
	vm1 =	vlt.s32 v8, $0x0;
	v4 =	vld [tilespmem:s24+$0x640];
	v1 =	vsel vm0, v1, v2  }
0x39: {  	v2 =	vsel vm1, v3, v8;
	vm0 =	vlt.s32 v7, $0x0;
	v3 =	vld [tilespmem:s24+$0x780];
	[tilespmem:s23+$0x2800] =	vst v1;
	s23 =	smov.u32 s24  }
0x3a: {  	v1 =	vsel vm0, v2, v7;
	vm0 =	vlt.s32 v5, $0x0;
	v2 =	vld [tilespmem:s23+$0x8C0]  }
0x3b: {  	v1 =	vsel vm0, v1, v5;
	vm0 =	vlt.s32 v9, $0x0;
	v5 =	vld [tilespmem:s23+$0xA00]  }
0x3c: {  	v1 =	vsel vm0, v1, v9;
	vm0 =	vlt.s32 v6, $0x0;
	v7 =	vld [tilespmem:s23+$0xB40]  }
0x3d: {  	v1 =	vsel vm0, v1, v6;
	vm0 =	vlt.s32 v4, $0x0;
	v6 =	vld [tilespmem:s23+$0xC80]  }
0x3e: {  	v1 =	vsel vm0, v1, v4;
	vm0 =	vlt.s32 v3, $0x0;
	v4 =	vld [tilespmem:s23+$0xDC0]  }
0x3f: {  	v1 =	vsel vm0, v1, v3;
	vm0 =	vlt.s32 v2, $0x0;
	v3 =	vld [tilespmem:s23+$0xF00]  }
0x40: {  	v1 =	vsel vm0, v1, v2;
	vm0 =	vlt.s32 v5, $0x0;
	v2 =	vld [tilespmem:s23+$0x1040]  }
0x41: {  	v1 =	vsel vm0, v1, v5;
	vm0 =	vlt.s32 v7, $0x0;
	v5 =	vld [tilespmem:s23+$0x1180]  }
0x42: {  	v1 =	vsel vm0, v1, v7;
	vm0 =	vlt.s32 v6, $0x0;
	v7 =	vld [tilespmem:s23+$0x12C0]  }
0x43: {  	v1 =	vsel vm0, v1, v6;
	vm0 =	vlt.s32 v4, $0x0;
	v6 =	vld [tilespmem:s23+$0x1400]  }
0x44: {  	v1 =	vsel vm0, v1, v4;
	vm0 =	vlt.s32 v3, $0x0;
	v4 =	vld [tilespmem:s23+$0x1540]  }
0x45: {  	v1 =	vsel vm0, v1, v3;
	vm0 =	vlt.s32 v2, $0x0;
	v3 =	vld [tilespmem:s23+$0x1680]  }
0x46: {  	v1 =	vsel vm0, v1, v2;
	vm0 =	vlt.s32 v5, $0x0;
	v2 =	vld [tilespmem:s23+$0x17C0]  }
0x47: {  	v1 =	vsel vm0, v1, v5;
	vm0 =	vlt.s32 v7, $0x0;
	v5 =	vld [tilespmem:s23+$0x1900]  }
0x48: {  	v1 =	vsel vm0, v1, v7;
	vm0 =	vlt.s32 v6, $0x0;
	v7 =	vld [tilespmem:s23+$0x1A40]  }
0x49: {  	v1 =	vsel vm0, v1, v6;
	vm0 =	vlt.s32 v4, $0x0;
	v6 =	vld [tilespmem:s23+$0x1B80]  }
0x4a: {  	v1 =	vsel vm0, v1, v4;
	vm0 =	vlt.s32 v3, $0x0;
	v8 =	vld [tilespmem:s23+$0x1CC0]  }
0x4b: {  	v1 =	vsel vm0, v1, v3;
	vm0 =	vlt.s32 v2, $0x0;
	v9 =	vld [tilespmem:s23+$0x1E00]  }
0x4c: {  	v1 =	vsel vm0, v1, v2;
	vm0 =	vlt.s32 v5, $0x0;
	v2 =	vld [tilespmem:s23+$0x1F40]  }
0x4d: {  	v1 =	vsel vm0, v1, v5;
	vm0 =	vlt.s32 v7, $0x0;
	v4 =	vld [tilespmem:s23+$0x2080]  }
.Ltmp0:
0x4e: {  	v1 =	vsel vm0, v1, v7;
	vm0 =	vlt.s32 v6, $0x0;
	v5 =	vld [tilespmem:s23+$0x21C0];
	(pc) =	sbr.rel @p0 .LBB2_2-.Ltmp0, $4  }
0x4f: {  	v1 =	vsel vm0, v1, v6;
	vm0 =	vlt.s32 v8, $0x0;
	v6 =	vld [tilespmem:s23+$0x2300]  }
0x50: {  	v1 =	vsel vm0, v1, v8;
	vm0 =	vlt.s32 v9, $0x0;
	v3 =	vld [tilespmem:s23+$0x2440]  }
0x51: {  	v7 =	vsel vm0, v1, v9;
	vm0 =	vlt.s32 v2, $0x0;
	v1 =	vld [tilespmem:s23+$0x2580]  }
0x52: {  	s24 =	sshra.s32 s26, $0x2;
	s26 =	sadd.s32 $0x40, s26;
	v7 =	vsel vm0, v7, v2;
	vm0 =	vlt.s32 v4, $0x0;
	v2 =	vld [tilespmem:s23+$0x26C0]  }
0x53: {  	v8 =	vld [tilespmem:s24+$0x0];
	v4 =	vsel vm0, v7, v4;
	vm4 =	vlt.s32 v5, $0x0  }
0x54: {  	v43 =	vld [tilespmem:s24+$0x140];
	v4 =	vsel vm4, v4, v5;
	vm5 =	vlt.s32 v6, $0x0  }
0x55: {  	v44 =	vld [tilespmem:s24+$0x280];
	s25 =	sadd.s32 $0x10, s25;
	v4 =	vsel vm5, v4, v6;
	vm6 =	vlt.s32 v3, $0x0  }
0x56: {  	v45 =	vld [tilespmem:s24+$0x3C0];
	v9 =	vor.u32 s25, v0;
	v3 =	vsel vm6, v4, v3;
	vm7 =	vlt.s32 v1, $0x0  }
0x57: {  	v46 =	vld [tilespmem:s24+$0x500];
	v9 =	vand.u32 $0xFF, v9;
	v1 =	vsel vm7, v3, v1;
	vm8 =	vlt.s32 v2, $0x0  }
0x58: {  	v9 =	vadd.s32 $0x2710, v9;
	v3 =	vld [tilespmem:s24+$0x640];
	vm1 =	vlt.s32 v8, $0x0;
	v1 =	vsel vm8, v1, v2  }
0x59: {  	v2 =	vld [tilespmem:s24+$0x780];
	vm9 =	vlt.s32 v43, $0x0;
	v8 =	vsel vm1, v9, v8;
	[tilespmem:s23+$0x2800] =	vst v1  }
0x5a: {  	vm10 =	vlt.s32 v44, $0x0;
	v1 =	vsel vm9, v8, v43;
	v47 =	vld [tilespmem:s24+$0x8C0]  }
0x5b: {  	vm11 =	vlt.s32 v45, $0x0;
	v48 =	vld [tilespmem:s24+$0xA00];
	v1 =	vsel vm10, v1, v44  }
0x5c: {  	vm12 =	vlt.s32 v46, $0x0;
	v49 =	vld [tilespmem:s24+$0xB40];
	v1 =	vsel vm11, v1, v45  }
0x5d: {  	v50 =	vld [tilespmem:s24+$0xC80];
	vm13 =	vlt.s32 v3, $0x0;
	v1 =	vsel vm12, v1, v46  }
0x5e: {  	vm14 =	vlt.s32 v2, $0x0;
	v1 =	vsel vm13, v1, v3;
	v3 =	vld [tilespmem:s24+$0xDC0]  }
0x5f: {  	v1 =	vsel vm14, v1, v2;
	vm15 =	vlt.s32 v47, $0x0;
	v2 =	vld [tilespmem:s24+$0xF00]  }
0x60: {  	v51 =	vld [tilespmem:s24+$0x1040];
	vm4 =	vlt.s32 v48, $0x0;
	v1 =	vsel vm15, v1, v47  }
0x61: {  	v52 =	vld [tilespmem:s24+$0x1180];
	vm5 =	vlt.s32 v49, $0x0;
	v1 =	vsel vm4, v1, v48  }
0x62: {  	v53 =	vld [tilespmem:s24+$0x12C0];
	vm6 =	vlt.s32 v50, $0x0;
	v1 =	vsel vm5, v1, v49  }
0x63: {  	v54 =	vld [tilespmem:s24+$0x1400];
	v1 =	vsel vm6, v1, v50;
	vm7 =	vlt.s32 v3, $0x0  }
0x64: {  	v1 =	vsel vm7, v1, v3;
	vm8 =	vlt.s32 v2, $0x0;
	v3 =	vld [tilespmem:s24+$0x1540]  }
0x65: {  	vm9 =	vlt.s32 v51, $0x0;
	v1 =	vsel vm8, v1, v2;
	v2 =	vld [tilespmem:s24+$0x1680]  }
0x66: {  	v55 =	vld [tilespmem:s24+$0x17C0];
	vm10 =	vlt.s32 v52, $0x0;
	v1 =	vsel vm9, v1, v51  }
0x67: {  	v56 =	vld [tilespmem:s24+$0x1900];
	vm11 =	vlt.s32 v53, $0x0;
	v1 =	vsel vm10, v1, v52  }
0x68: {  	v57 =	vld [tilespmem:s24+$0x1A40];
	vm12 =	vlt.s32 v54, $0x0;
	v1 =	vsel vm11, v1, v53  }
0x69: {  	v58 =	vld [tilespmem:s24+$0x1B80];
	v1 =	vsel vm12, v1, v54;
	vm13 =	vlt.s32 v3, $0x0  }
0x6a: {  	v1 =	vsel vm13, v1, v3;
	vm14 =	vlt.s32 v2, $0x0;
	v3 =	vld [tilespmem:s24+$0x1CC0]  }
0x6b: {  	vm15 =	vlt.s32 v55, $0x0;
	v1 =	vsel vm14, v1, v2;
	v2 =	vld [tilespmem:s24+$0x1E00]  }
0x6c: {  	v59 =	vld [tilespmem:s24+$0x1F40];
	vm4 =	vlt.s32 v56, $0x0;
	v1 =	vsel vm15, v1, v55  }
0x6d: {  	v60 =	vld [tilespmem:s24+$0x2080];
	vm5 =	vlt.s32 v57, $0x0;
	v1 =	vsel vm4, v1, v56  }
0x6e: {  	v61 =	vld [tilespmem:s24+$0x21C0];
	vm6 =	vlt.s32 v58, $0x0;
	v1 =	vsel vm5, v1, v57  }
0x6f: {  	v62 =	vld [tilespmem:s24+$0x2300];
	v1 =	vsel vm6, v1, v58;
	vm7 =	vlt.s32 v3, $0x0  }
0x70: {  	v1 =	vsel vm7, v1, v3;
	vm8 =	vlt.s32 v2, $0x0;
	v3 =	vld [tilespmem:s24+$0x2440]  }
0x71: {  	vm9 =	vlt.s32 v59, $0x0;
	v1 =	vsel vm8, v1, v2;
	v2 =	vld [tilespmem:s24+$0x2580]  }
0x72: {  	v63 =	vld [tilespmem:s24+$0x26C0];
	vm10 =	vlt.s32 v60, $0x0;
	v1 =	vsel vm9, v1, v59  }
0x73: {  	vm11 =	vlt.s32 v61, $0x0;
	v1 =	vsel vm10, v1, v60  }
0x74: {  	vm12 =	vlt.s32 v62, $0x0;
	v1 =	vsel vm11, v1, v61  }
0x75: {  	v1 =	vsel vm12, v1, v62;
	vm13 =	vlt.s32 v3, $0x0  }
0x76: {  	v1 =	vsel vm13, v1, v3;
	vm14 =	vlt.s32 v2, $0x0  }
0x77: {  	vm15 =	vlt.s32 v63, $0x0;
	v1 =	vsel vm14, v1, v2  }
0x78: {  	v1 =	vsel vm15, v1, v63  }
0x79: {  	[tilespmem:s24+$0x2800] =	vst v1  }
0x7a: {  	[tilespmem:s12], [sflag:$0x1] =	stream.indirect.gather [hbm4b:s3+s11], $0x80, s9, s11, $0xb8;
	[tilespmem:$0xC940] =	vst v63  }
0x7b: {  	_ = 	snop  }
0x7c: {  	[tilespmem:s14], [sflag:$0x1] =	stream.indirect.gather [hbm4b:s3+s11], $0x80, s13, s11, $0xb8;
	[tilespmem:$0xC940] =	vst v63  }
0x7d: {  	_ = 	snop  }
0x7e: {  	[tilespmem:s16], [sflag:$0x1] =	stream.indirect.gather [hbm4b:s3+s11], $0x80, s15, s11, $0xb8;
	[tilespmem:$0xC940] =	vst v63  }
0x7f: {  	_ = 	snop  }
0x80: {  	[tilespmem:s18], [sflag:$0x1] =	stream.indirect.gather [hbm4b:s3+s11], $0x80, s17, s11, $0xb8;
	[tilespmem:$0xC940] =	vst v63  }
0x81: {  	_ = 	snop  }
0x82: {  	[tilespmem:s20], [sflag:$0x1] =	stream.indirect.gather [hbm4b:s3+s11], $0x80, s19, s11, $0xb8;
	[tilespmem:$0xC940] =	vst v63  }
0x83: {  	_ =	swait.ge [sflag:s21], $0x2000  }
0x84: {  	[sflag:s21] =	ssyncset.done $0x0  }
0x85: {  	[sflag:s21] =	ssyncadd.s32 $0xFFFFE000  }
0x86: {  	_ =	swait.ge [sflag:s21], $0x2000  }
0x87: {  	[sflag:s21] =	ssyncset.done $0x0  }
0x88: {  	[sflag:s21] =	ssyncadd.s32 $0xFFFFE000  }
0x89: {  	_ =	swait.ge [sflag:s21], $0x2000  }
0x8a: {  	[sflag:s21] =	ssyncset.done $0x0  }
0x8b: {  	[sflag:s21] =	ssyncadd.s32 $0xFFFFE000  }
0x8c: {  	_ =	swait.ge [sflag:s21], $0x2000  }
0x8d: {  	[sflag:s21] =	ssyncset.done $0x0  }
0x8e: {  	[sflag:s21] =	ssyncadd.s32 $0xFFFFE000  }
0x8f: {  	s22 =	sadd.s32 $0x1, s22;
	_ =	swait.ge [sflag:s21], $0x2000  }
0x90: {  	p0 =	sne.s32 s22, s6;
	[sflag:s21] =	ssyncset.done $0x0  }
.Ltmp1:
0x91: {  	[sflag:s21] =	ssyncadd.s32 $0xFFFFE000;
	(pc) =	sbr.rel @p0 .LBB2_1-.Ltmp1, $4  }
0x92: {  	[hbm4b:s5+s2] =	stream.linear.scatter [tilespmem:s12], [sflag:$0x2], $0xA000, $0x38;
	[tilespmem:$0xC940] =	vst v63  }
0x93: {  	_ =	swait.ge [sflag:s10], $0xA000  }
0x94: {  	[sflag:s10] =	ssyncset.done $0x0  }
0x95: {  	[sflag:s10] =	ssyncadd.s32 $0xFFFF6000  }
0x96: {  	_ =	sfence.sel $0x180000  }
0x97: {  	[bflag:$0x0] =	sbarrier.arrive $0xFFFF  }
0x98: {  	p0 =	sne.s32 s0, $0x0;
	_ =	strace $0x9000004A  }
0x99: {  	s0 =	sadd.s32 @!p0 $0x100000, s1;
	[bflag:$0x2] =	sbarrier.arrive $0xFFFF  }
0x9a: {  	[sflag:s0] =	ssyncadd.tile.s32 @!p0 $0x1;
	_ =	shalt  }
.Lfunc_end2:
_tile_overlayer_lowered:
.L_overlay_start_2:
0x9b: {  	(tag) =	ssettag $0x2  }
0x9c: {  	s0 =	rddreg [dreg:$0x0];
	s2 =	stileid.u32  }
0x9d: {  	s1 =	rddreg [dreg:$0x1];
	p0 =	sne.s32 s2, $0x0  }
0x9e: {  	s3 =	rddreg [dreg:$0x2];
	[bflag:$0x3] =	sbarrier.arrive $0xFFFF;
	s2 =	simm.s32 @!p0 $0x1C02  }
0x9f: {  	[timem:s3], [sflag:s2] =	dma.local @!p0 [hbm:s0], s1  }
0xa0: {  	s0 =	simm.s32 @!p0 $0x2  }
0xa1: {  	_ =	swait.ge @!p0 [sflag:s0], s1  }
0xa2: {  	s1 =	ssub.s32 @!p0 $0x0, s1;
	[sflag:s0] =	ssyncset.done @!p0 $0x0  }
0xa3: {  	[sflag:s0] =	ssyncadd.s32 @!p0 s1  }
0xa4: {  	[bflag:$0x3] =	sbarrier.arrive $0xFFFF  }
0xa5: {  	_ =	shalt  }

</sc_bundles>
